<compile_context>
chip_gen: v7x
topology: tpu7x:2x2x1
jax: 0.10.2.dev20260603
libtpu: 0.0.44.dev20260713+nightly
codegen_flags: <defaults>
</compile_context>

<pallas_src>
import functools

import jax
import jax.numpy as jnp
from jax import lax
from jax.experimental import pallas as pl
from jax.experimental.pallas import tpu as pltpu
from jax.experimental.pallas import tpu_sc as plsc

N = 320000
D = 128
K = 1024
NC = 2
NS = 16
NW = NC * NS
LANES = 16
ROWS_W = N // NW
CH = 400
NCHUNK = ROWS_W // CH
NBUF = 2
AUXW = 2 * LANES

_mesh = plsc.VectorSubcoreMesh(core_axis_name="c", subcore_axis_name="s")


@functools.partial(
    pl.kernel,
    out_type=[
        jax.ShapeDtypeStruct((NC, K, D), jnp.float32),
        jax.ShapeDtypeStruct((NC, K, AUXW), jnp.float32),
    ],
    mesh=_mesh,
    compiler_params=pltpu.CompilerParams(use_tc_tiling_on_sc=False),
    scratch_types=(
        [pltpu.VMEM((CH, D), jnp.float32)] * NBUF +
        [pltpu.VMEM((CH, AUXW), jnp.float32)] +
        [pltpu.VMEM((CH,), jnp.int32)] * NBUF +
        [pltpu.VMEM_SHARED((K, D), jnp.float32),
         pltpu.VMEM_SHARED((K, AUXW), jnp.float32)] +
        [pltpu.SemaphoreType.DMA] * (3 * NBUF + 1)
    ),
)
def _accum_kernel(var_hbm, lab_hbm, sums_out, aux_out, *refs):
    xb = refs[0:NBUF]
    zbuf = refs[NBUF]
    ib = refs[NBUF + 1:2 * NBUF + 1]
    ssums = refs[2 * NBUF + 1]
    saux = refs[2 * NBUF + 2]
    sems = refs[2 * NBUF + 3:]
    inx = sems[0:NBUF]
    inl = sems[NBUF:2 * NBUF]
    scx = sems[2 * NBUF:3 * NBUF]
    scz = sems[3 * NBUF]

    cid = lax.axis_index("c")
    sid = lax.axis_index("s")
    wid = cid * NS + sid
    zeros16 = jnp.zeros((LANES,), jnp.float32)
    x0, z0 = xb[0], zbuf

    KSLICE = K // NS

    @plsc.parallel_loop(0, KSLICE, unroll=4)
    def _zrow(r):
        for j in range(D // LANES):
            x0[r, pl.ds(j * LANES, LANES)] = zeros16
        for j in range(AUXW // LANES):
            z0[r, pl.ds(j * LANES, LANES)] = zeros16

    pltpu.sync_copy(x0.at[pl.ds(0, KSLICE)],
                    ssums.at[pl.ds(sid * KSLICE, KSLICE)])
    pltpu.sync_copy(z0.at[pl.ds(0, KSLICE)],
                    saux.at[pl.ds(sid * KSLICE, KSLICE)])
    plsc.subcore_barrier()

    lanes = jnp.arange(LANES, dtype=jnp.int32)
    onehot = jnp.where(lanes == 0, 1.0, 0.0).astype(jnp.float32)

    @plsc.parallel_loop(0, CH, unroll=4)
    def _crow(r):
        zbuf[r, pl.ds(0, LANES)] = zeros16
        zbuf[r, pl.ds(LANES, LANES)] = onehot

    row0 = wid * ROWS_W
    pltpu.async_copy(var_hbm.at[pl.ds(row0, CH)], xb[0], inx[0])
    pltpu.async_copy(lab_hbm.at[pl.ds(row0, CH)], ib[0], inl[0])

    POUT = -(-NCHUNK // NBUF)

    def _group(p, _):
        base_p = pl.multiple_of(row0 + p * NBUF * CH, 8)

        def _slot(b):
            pltpu.make_async_copy(
                var_hbm.at[pl.ds(base_p + b * CH, CH)], xb[b],
                inx[b]).wait()
            pltpu.make_async_copy(
                lab_hbm.at[pl.ds(base_p + b * CH, CH)], ib[b],
                inl[b]).wait()

            def _zwait():
                pltpu.make_async_copy(zbuf, saux.at[ib[b]], scz).wait()
            if b == 0:
                @pl.when(p > 0)
                def _():
                    _zwait()
            else:
                _zwait()

            xref = xb[b]

            @plsc.parallel_loop(0, CH, unroll=4)
            def _row(r):
                acc = zeros16
                for j in range(D // LANES):
                    v = xref[r, pl.ds(j * LANES, LANES)]
                    acc = acc + v * v
                zbuf[r, pl.ds(0, LANES)] = acc

            pltpu.async_copy(xb[b], ssums.at[ib[b]], scx[b], add=True)
            pltpu.async_copy(zbuf, saux.at[ib[b]], scz, add=True)

            nb = (b + 1) % NBUF
            nbase = pl.multiple_of(base_p + (b + 1) * CH, 8)

            def _prefetch(first):
                if not first:
                    pltpu.make_async_copy(
                        xb[nb], ssums.at[ib[nb]], scx[nb]).wait()
                pltpu.async_copy(var_hbm.at[pl.ds(nbase, CH)],
                                 xb[nb], inx[nb])
                pltpu.async_copy(lab_hbm.at[pl.ds(nbase, CH)],
                                 ib[nb], inl[nb])

            if b == 0:
                @pl.when(p == 0)
                def _():
                    _prefetch(True)

                @pl.when((p > 0) & (p < POUT - 1))
                def _():
                    _prefetch(False)
            else:
                @pl.when(p < POUT - 1)
                def _():
                    _prefetch(False)

        for b in range(NBUF):
            if b < NCHUNK - (POUT - 1) * NBUF:
                _slot(b)
            else:
                @pl.when(p < POUT - 1)
                def _():
                    _slot(b)
        return 0
    lax.fori_loop(0, POUT, _group, 0)

    for b in range(NBUF):
        pltpu.make_async_copy(xb[b], ssums.at[ib[b]], scx[b]).wait()
    pltpu.make_async_copy(zbuf, saux.at[ib[0]], scz).wait()

    plsc.subcore_barrier()

    pltpu.sync_copy(ssums.at[pl.ds(sid * KSLICE, KSLICE)],
                    sums_out.at[cid, pl.ds(sid * KSLICE, KSLICE)])
    pltpu.sync_copy(saux.at[pl.ds(sid * KSLICE, KSLICE)],
                    aux_out.at[cid, pl.ds(sid * KSLICE, KSLICE)])


SCH = K // NS


@functools.partial(
    pl.kernel,
    out_type=jax.ShapeDtypeStruct((LANES,), jnp.float32),
    mesh=_mesh,
    compiler_params=pltpu.CompilerParams(use_tc_tiling_on_sc=False),
    scratch_types=[
        pltpu.VMEM((SCH, D), jnp.float32),
        pltpu.VMEM((SCH, D), jnp.float32),
        pltpu.VMEM((SCH, AUXW), jnp.float32),
        pltpu.VMEM((SCH, AUXW), jnp.float32),
        pltpu.VMEM((D,), jnp.float32),
        pltpu.VMEM((NS, D), jnp.float32),
        pltpu.VMEM((LANES,), jnp.float32),
        pltpu.VMEM_SHARED((NS, D), jnp.float32),
    ],
)
def _loss_kernel(sums_p, aux_p, out_hbm, s0, s1, a0, a1,
                 stg, fold, outbuf, sstage):
    cid = lax.axis_index("c")
    sid = lax.axis_index("s")

    @pl.when(cid == 0)
    def _():
        lanes = jnp.arange(LANES, dtype=jnp.int32)
        zeros16 = jnp.zeros((LANES,), jnp.float32)
        off = sid * SCH
        pltpu.sync_copy(sums_p.at[0, pl.ds(off, SCH)], s0)
        pltpu.sync_copy(sums_p.at[1, pl.ds(off, SCH)], s1)
        pltpu.sync_copy(aux_p.at[0, pl.ds(off, SCH)], a0)
        pltpu.sync_copy(aux_p.at[1, pl.ds(off, SCH)], a1)

        def _seg(r, carry):
            loss_v, nuniq_s = carry
            sacc = zeros16
            for j in range(D // LANES):
                v = (s0[r, pl.ds(j * LANES, LANES)] +
                     s1[r, pl.ds(j * LANES, LANES)])
                sacc = sacc + v * v
            qv = a0[r, pl.ds(0, LANES)] + a1[r, pl.ds(0, LANES)]
            cv = (a0[r, pl.ds(LANES, LANES)] +
                  a1[r, pl.ds(LANES, LANES)])
            c = cv[0]

            segid = off + r
            present = c > 0.0
            valid = present & (segid != 0)
            safec = jnp.where(present, c, 1.0)
            contrib = jnp.where(
                valid, (qv - sacc / safec) / (safec * float(D)),
                zeros16)
            nuniq_s = nuniq_s + jnp.where(present, 1.0, 0.0)
            return loss_v + contrib, nuniq_s

        loss_v, nuniq = lax.fori_loop(0, SCH, _seg, (zeros16, 0.0))

        stg[pl.ds(0, LANES)] = loss_v
        stg[pl.ds(LANES, LANES)] = jnp.where(lanes == 0, nuniq, 0.0)
        for j in range(2, D // LANES):
            stg[pl.ds(j * LANES, LANES)] = zeros16
        pltpu.sync_copy(stg, sstage.at[sid])
        plsc.subcore_barrier()

        @pl.when(sid == 0)
        def _():
            pltpu.sync_copy(sstage, fold)
            lv = zeros16
            nv = zeros16
            for t in range(NS):
                lv = lv + fold[t, pl.ds(0, LANES)]
                nv = nv + fold[t, pl.ds(LANES, LANES)]
            loss = lv[0]
            for i in range(1, LANES):
                loss = loss + lv[i]
            nuniq_tot = nv[0]
            loss = jnp.where(nuniq_tot == 1.0, 0.0, loss)
            outbuf[pl.ds(0, LANES)] = jnp.where(lanes == 0, loss, 0.0)
            pltpu.sync_copy(outbuf, out_hbm)


def kernel(variances, ins_labels):
    sums_p, aux_p = _accum_kernel(variances, ins_labels.astype(jnp.int32))
    out = _loss_kernel(sums_p, aux_p)
    return out[0]

# --- scband reference (transcript-rebuilt; emitter-appended) ---
"""Pipeline reference for scband-variance-smooth-loss-46179488367045 (READ-ONLY COPY).

The authoritative reference and input builder live on the scoring server;
editing this copy changes nothing except your own understanding.
"""

import jax, jax.numpy as jnp
import numpy as np

N = 320000
D = 128
NUM_SEGMENTS = 1024

def setup_inputs(seed: int = 0) -> dict:
    key = jax.random.key(seed)
    k1, k2 = jax.random.split(key)
    variances = jax.random.normal(k1, (N, D), dtype=jnp.float32)
    ins_labels = jnp.sort(jax.random.randint(k2, (N,), 0, NUM_SEGMENTS, dtype=jnp.int32))
    return {"variances": variances, "ins_labels": ins_labels}

def reference(variances, ins_labels):
    # Faithful vectorized translation of the per-instance loop:
    # for each unique instance != 0: loss += MSE(ins_variances, mean(ins_variances))
    K = NUM_SEGMENTS
    ids = ins_labels.astype(jnp.int32)
    ones = jnp.ones((ids.shape[0],), dtype=variances.dtype)
    counts = jax.ops.segment_sum(ones, ids, num_segments=K)          # [K]
    sums = jax.ops.segment_sum(variances, ids, num_segments=K)       # [K, D]
    safe_counts = jnp.where(counts > 0, counts, 1.0)
    means = sums / safe_counts[:, None]                              # per-instance mean, [K, D]
    diff = variances - jnp.take(means, ids, axis=0)                  # gather means back to elements
    seg_sq = jax.ops.segment_sum(jnp.sum(diff * diff, axis=1), ids, num_segments=K)  # [K]
    per_ins_mse = seg_sq / (safe_counts * variances.shape[1])        # MSELoss = mean over all elems
    present = counts > 0
    valid = present & (jnp.arange(K) != 0)                           # skip instance id 0
    loss = jnp.sum(jnp.where(valid, per_ins_mse, 0.0))
    n_unique = jnp.sum(present.astype(jnp.int32))
    loss = jnp.where(n_unique == 1, jnp.zeros_like(loss), loss)      # single-instance early return
    return loss

if __name__ == "__main__":
    import jax
    _d = setup_inputs()
    print(jax.jit(kernel)(*tuple(_d.values())))

</pallas_src>

<mosaic_0001>
#map = affine_map<(d0, d1) -> (0, 0)>
#map1 = affine_map<(d0, d1) -> (0)>
#map2 = affine_map<(d0, d1) -> (0, 0, 0)>
module attributes {stable_mosaic.version = 14 : i64} {
  func.func @_accum_kernel(%arg0: i32, %arg1: i32, %arg2: memref<320000x128xf32, #tpu.memory_space<hbm>>, %arg3: memref<320000xi32, #tpu.memory_space<hbm>>, %arg4: memref<2x1024x128xf32, #tpu.memory_space<hbm>>, %arg5: memref<2x1024x32xf32, #tpu.memory_space<hbm>>, %arg6: memref<400x128xf32, #tpu.memory_space<vmem>>, %arg7: memref<400x128xf32, #tpu.memory_space<vmem>>, %arg8: memref<400x32xf32, #tpu.memory_space<vmem>>, %arg9: memref<400xi32, #tpu.memory_space<vmem>>, %arg10: memref<400xi32, #tpu.memory_space<vmem>>, %arg11: memref<1024x128xf32, #tpu.memory_space<vmem_shared>>, %arg12: memref<1024x32xf32, #tpu.memory_space<vmem_shared>>, %arg13: memref<!tpu.dma_semaphore, #tpu.memory_space<semaphore_mem>>, %arg14: memref<!tpu.dma_semaphore, #tpu.memory_space<semaphore_mem>>, %arg15: memref<!tpu.dma_semaphore, #tpu.memory_space<semaphore_mem>>, %arg16: memref<!tpu.dma_semaphore, #tpu.memory_space<semaphore_mem>>, %arg17: memref<!tpu.dma_semaphore, #tpu.memory_space<semaphore_mem>>, %arg18: memref<!tpu.dma_semaphore, #tpu.memory_space<semaphore_mem>>, %arg19: memref<!tpu.dma_semaphore, #tpu.memory_space<semaphore_mem>>) attributes {dimension_semantics = [#tpu.dimension_semantics<core_parallel>, #tpu.dimension_semantics<subcore_parallel>], iteration_bounds = array<i64: 2, 16>, scalar_prefetch = 0 : i64, scratch_operands = 14 : i64, tpu.core_type = #tpu.core_type<sc_vector_subcore>, window_params = [{transform_indices = #map}, {transform_indices = #map1}, {transform_indices = #map2}, {transform_indices = #map2}]} {
    %mul3A = arith.constant 16 : i32
    %mul3A_0 = arith.muli %arg0, %mul3A : i32
    %add3A = arith.addi %mul3A_0, %arg1 : i32
    %broadcast_in_dim3A = arith.constant 0.000000e+00 : f32
    %broadcast_in_dim3A_1 = vector.broadcast %broadcast_in_dim3A : f32 to vector<16xf32>
    %parallel_loop3A = arith.constant 0 : i32
    %parallel_loop3A_2 = arith.constant 64 : i32
    %parallel_loop3A_3 = arith.constant 1 : i32
    scf.for %parallel_loop3A_46 = %parallel_loop3A to %parallel_loop3A_2 step %parallel_loop3A_3  : i32 {
      %parallel_loop3A_47 = arith.index_cast %parallel_loop3A_46 : i32 to index
      %parallel_loop3A_48 = arith.constant 0 : index
      %parallel_loop3A_49 = tpu.vector_load %arg6[%parallel_loop3A_47, %parallel_loop3A_48] {strides = array<i32>} : memref<400x128xf32, #tpu.memory_space<vmem>>, vector<1x16xf32>,
      %parallel_loop3A_50 = vector.shape_cast %parallel_loop3A_49 : vector<1x16xf32> to vector<16xf32>
      %parallel_loop3A_51 = vector.shape_cast %broadcast_in_dim3A_1 : vector<16xf32> to vector<1x16xf32>
      tpu.vector_store %arg6[%parallel_loop3A_47, %parallel_loop3A_48], %parallel_loop3A_51 {strides = array<i32>} : memref<400x128xf32, #tpu.memory_space<vmem>>, vector<1x16xf32>,
      %parallel_loop3A_52 = arith.index_cast %parallel_loop3A_46 : i32 to index
      %parallel_loop3A_53 = arith.constant 16 : index
      %parallel_loop3A_54 = tpu.vector_load %arg6[%parallel_loop3A_52, %parallel_loop3A_53] {strides = array<i32>} : memref<400x128xf32, #tpu.memory_space<vmem>>, vector<1x16xf32>,
      %parallel_loop3A_55 = vector.shape_cast %parallel_loop3A_54 : vector<1x16xf32> to vector<16xf32>
      %parallel_loop3A_56 = vector.shape_cast %broadcast_in_dim3A_1 : vector<16xf32> to vector<1x16xf32>
      tpu.vector_store %arg6[%parallel_loop3A_52, %parallel_loop3A_53], %parallel_loop3A_56 {strides = array<i32>} : memref<400x128xf32, #tpu.memory_space<vmem>>, vector<1x16xf32>,
      %parallel_loop3A_57 = arith.index_cast %parallel_loop3A_46 : i32 to index
      %parallel_loop3A_58 = arith.constant 32 : index
      %parallel_loop3A_59 = tpu.vector_load %arg6[%parallel_loop3A_57, %parallel_loop3A_58] {strides = array<i32>} : memref<400x128xf32, #tpu.memory_space<vmem>>, vector<1x16xf32>,
      %parallel_loop3A_60 = vector.shape_cast %parallel_loop3A_59 : vector<1x16xf32> to vector<16xf32>
      %parallel_loop3A_61 = vector.shape_cast %broadcast_in_dim3A_1 : vector<16xf32> to vector<1x16xf32>
      tpu.vector_store %arg6[%parallel_loop3A_57, %parallel_loop3A_58], %parallel_loop3A_61 {strides = array<i32>} : memref<400x128xf32, #tpu.memory_space<vmem>>, vector<1x16xf32>,
      %parallel_loop3A_62 = arith.index_cast %parallel_loop3A_46 : i32 to index
      %parallel_loop3A_63 = arith.constant 48 : index
      %parallel_loop3A_64 = tpu.vector_load %arg6[%parallel_loop3A_62, %parallel_loop3A_63] {strides = array<i32>} : memref<400x128xf32, #tpu.memory_space<vmem>>, vector<1x16xf32>,
      %parallel_loop3A_65 = vector.shape_cast %parallel_loop3A_64 : vector<1x16xf32> to vector<16xf32>
      %parallel_loop3A_66 = vector.shape_cast %broadcast_in_dim3A_1 : vector<16xf32> to vector<1x16xf32>
      tpu.vector_store %arg6[%parallel_loop3A_62, %parallel_loop3A_63], %parallel_loop3A_66 {strides = array<i32>} : memref<400x128xf32, #tpu.memory_space<vmem>>, vector<1x16xf32>,
      %parallel_loop3A_67 = arith.index_cast %parallel_loop3A_46 : i32 to index
      %parallel_loop3A_68 = arith.constant 64 : index
      %parallel_loop3A_69 = tpu.vector_load %arg6[%parallel_loop3A_67, %parallel_loop3A_68] {strides = array<i32>} : memref<400x128xf32, #tpu.memory_space<vmem>>, vector<1x16xf32>,
      %parallel_loop3A_70 = vector.shape_cast %parallel_loop3A_69 : vector<1x16xf32> to vector<16xf32>
      %parallel_loop3A_71 = vector.shape_cast %broadcast_in_dim3A_1 : vector<16xf32> to vector<1x16xf32>
      tpu.vector_store %arg6[%parallel_loop3A_67, %parallel_loop3A_68], %parallel_loop3A_71 {strides = array<i32>} : memref<400x128xf32, #tpu.memory_space<vmem>>, vector<1x16xf32>,
      %parallel_loop3A_72 = arith.index_cast %parallel_loop3A_46 : i32 to index
      %parallel_loop3A_73 = arith.constant 80 : index
      %parallel_loop3A_74 = tpu.vector_load %arg6[%parallel_loop3A_72, %parallel_loop3A_73] {strides = array<i32>} : memref<400x128xf32, #tpu.memory_space<vmem>>, vector<1x16xf32>,
      %parallel_loop3A_75 = vector.shape_cast %parallel_loop3A_74 : vector<1x16xf32> to vector<16xf32>
      %parallel_loop3A_76 = vector.shape_cast %broadcast_in_dim3A_1 : vector<16xf32> to vector<1x16xf32>
      tpu.vector_store %arg6[%parallel_loop3A_72, %parallel_loop3A_73], %parallel_loop3A_76 {strides = array<i32>} : memref<400x128xf32, #tpu.memory_space<vmem>>, vector<1x16xf32>,
      %parallel_loop3A_77 = arith.index_cast %parallel_loop3A_46 : i32 to index
      %parallel_loop3A_78 = arith.constant 96 : index
      %parallel_loop3A_79 = tpu.vector_load %arg6[%parallel_loop3A_77, %parallel_loop3A_78] {strides = array<i32>} : memref<400x128xf32, #tpu.memory_space<vmem>>, vector<1x16xf32>,
      %parallel_loop3A_80 = vector.shape_cast %parallel_loop3A_79 : vector<1x16xf32> to vector<16xf32>
      %parallel_loop3A_81 = vector.shape_cast %broadcast_in_dim3A_1 : vector<16xf32> to vector<1x16xf32>
      tpu.vector_store %arg6[%parallel_loop3A_77, %parallel_loop3A_78], %parallel_loop3A_81 {strides = array<i32>} : memref<400x128xf32, #tpu.memory_space<vmem>>, vector<1x16xf32>,
      %parallel_loop3A_82 = arith.index_cast %parallel_loop3A_46 : i32 to index
      %parallel_loop3A_83 = arith.constant 112 : index
      %parallel_loop3A_84 = tpu.vector_load %arg6[%parallel_loop3A_82, %parallel_loop3A_83] {strides = array<i32>} : memref<400x128xf32, #tpu.memory_space<vmem>>, vector<1x16xf32>,
      %parallel_loop3A_85 = vector.shape_cast %parallel_loop3A_84 : vector<1x16xf32> to vector<16xf32>
      %parallel_loop3A_86 = vector.shape_cast %broadcast_in_dim3A_1 : vector<16xf32> to vector<1x16xf32>
      tpu.vector_store %arg6[%parallel_loop3A_82, %parallel_loop3A_83], %parallel_loop3A_86 {strides = array<i32>} : memref<400x128xf32, #tpu.memory_space<vmem>>, vector<1x16xf32>,
      %parallel_loop3A_87 = arith.index_cast %parallel_loop3A_46 : i32 to index
      %parallel_loop3A_88 = arith.constant 0 : index
      %parallel_loop3A_89 = tpu.vector_load %arg8[%parallel_loop3A_87, %parallel_loop3A_88] {strides = array<i32>} : memref<400x32xf32, #tpu.memory_space<vmem>>, vector<1x16xf32>,
      %parallel_loop3A_90 = vector.shape_cast %parallel_loop3A_89 : vector<1x16xf32> to vector<16xf32>
      %parallel_loop3A_91 = vector.shape_cast %broadcast_in_dim3A_1 : vector<16xf32> to vector<1x16xf32>
      tpu.vector_store %arg8[%parallel_loop3A_87, %parallel_loop3A_88], %parallel_loop3A_91 {strides = array<i32>} : memref<400x32xf32, #tpu.memory_space<vmem>>, vector<1x16xf32>,
      %parallel_loop3A_92 = arith.index_cast %parallel_loop3A_46 : i32 to index
      %parallel_loop3A_93 = arith.constant 16 : index
      %parallel_loop3A_94 = tpu.vector_load %arg8[%parallel_loop3A_92, %parallel_loop3A_93] {strides = array<i32>} : memref<400x32xf32, #tpu.memory_space<vmem>>, vector<1x16xf32>,
      %parallel_loop3A_95 = vector.shape_cast %parallel_loop3A_94 : vector<1x16xf32> to vector<16xf32>
      %parallel_loop3A_96 = vector.shape_cast %broadcast_in_dim3A_1 : vector<16xf32> to vector<1x16xf32>
      tpu.vector_store %arg8[%parallel_loop3A_92, %parallel_loop3A_93], %parallel_loop3A_96 {strides = array<i32>} : memref<400x32xf32, #tpu.memory_space<vmem>>, vector<1x16xf32>,
    } {sc.loop_unroll_factor = 4 : i64, sc.parallel_access}
    %mul3A_4 = arith.constant 64 : i32
    %mul3A_5 = arith.muli %arg1, %mul3A_4 : i32
    "tpu.region"() ({
      %run_scoped3A = tpu.sem_alloc : memref<!tpu.dma_semaphore, #tpu.memory_space<semaphore_mem>>
      %dma_start3A_46 = arith.constant 0 : i32
      %dma_start3A_47 = arith.constant 0 : i32
      %dma_start3A_48 = tpu.memref_slice %arg6[%dma_start3A_46, %dma_start3A_47] : memref<400x128xf32, #tpu.memory_space<vmem>> -> memref<64x128xf32, #tpu.memory_space<vmem>>
      %dma_start3A_49 = arith.constant 0 : i32
      %dma_start3A_50 = tpu.memref_slice %arg11[%mul3A_5, %dma_start3A_49] : memref<1024x128xf32, #tpu.memory_space<vmem_shared>> -> memref<64x128xf32, #tpu.memory_space<vmem_shared>>
      %dma_start3A_51 = arith.constant 0 : i32
      %dma_start3A_52 = tpu.memref_slice %arg11[%mul3A_5, %dma_start3A_51] : memref<1024x128xf32, #tpu.memory_space<vmem_shared>> -> memref<64x128xf32, #tpu.memory_space<vmem_shared>>
      %dma_start3A_53 = arith.constant 0 : i32
      %dma_start3A_54 = arith.constant 0 : i32
      %dma_start3A_55 = tpu.memref_slice %arg6[%dma_start3A_53, %dma_start3A_54] : memref<400x128xf32, #tpu.memory_space<vmem>> -> memref<64x128xf32, #tpu.memory_space<vmem>>
      tpu.enqueue_dma source(%dma_start3A_55 : memref<64x128xf32, #tpu.memory_space<vmem>>) target(%dma_start3A_52 : memref<64x128xf32, #tpu.memory_space<vmem_shared>>) target_semaphore(%run_scoped3A : memref<!tpu.dma_semaphore, #tpu.memory_space<semaphore_mem>>)
      %dma_wait3A_56 = arith.constant 0 : i32
      %dma_wait3A_57 = arith.constant 0 : i32
      %dma_wait3A_58 = tpu.memref_slice %arg6[%dma_wait3A_56, %dma_wait3A_57] : memref<400x128xf32, #tpu.memory_space<vmem>> -> memref<64x128xf32, #tpu.memory_space<vmem>>
      %dma_wait3A_59 = arith.constant 0 : i32
      %dma_wait3A_60 = tpu.memref_slice %arg11[%mul3A_5, %dma_wait3A_59] : memref<1024x128xf32, #tpu.memory_space<vmem_shared>> -> memref<64x128xf32, #tpu.memory_space<vmem_shared>>
      %dma_wait3A_61 = arith.constant 0 : i32
      %dma_wait3A_62 = tpu.memref_slice %arg11[%mul3A_5, %dma_wait3A_61] : memref<1024x128xf32, #tpu.memory_space<vmem_shared>> -> memref<64x128xf32, #tpu.memory_space<vmem_shared>>
      %dma_wait3A_63 = arith.constant 0 : i32
      %dma_wait3A_64 = arith.constant 0 : i32
      %dma_wait3A_65 = tpu.memref_slice %arg6[%dma_wait3A_63, %dma_wait3A_64] : memref<400x128xf32, #tpu.memory_space<vmem>> -> memref<64x128xf32, #tpu.memory_space<vmem>>
      tpu.wait_dma2 semaphore(%run_scoped3A : memref<!tpu.dma_semaphore, #tpu.memory_space<semaphore_mem>>) src(%dma_wait3A_65 : memref<64x128xf32, #tpu.memory_space<vmem>>) dst(%dma_wait3A_62 : memref<64x128xf32, #tpu.memory_space<vmem_shared>>)
      tpu.yield
    }) : () -> ()
    %mul3A_6 = arith.constant 64 : i32
    %mul3A_7 = arith.muli %arg1, %mul3A_6 : i32
    "tpu.region"() ({
      %run_scoped3A = tpu.sem_alloc : memref<!tpu.dma_semaphore, #tpu.memory_space<semaphore_mem>>
      %dma_start3A_46 = arith.constant 0 : i32
      %dma_start3A_47 = arith.constant 0 : i32
      %dma_start3A_48 = tpu.memref_slice %arg8[%dma_start3A_46, %dma_start3A_47] : memref<400x32xf32, #tpu.memory_space<vmem>> -> memref<64x32xf32, #tpu.memory_space<vmem>>
      %dma_start3A_49 = arith.constant 0 : i32
      %dma_start3A_50 = tpu.memref_slice %arg12[%mul3A_7, %dma_start3A_49] : memref<1024x32xf32, #tpu.memory_space<vmem_shared>> -> memref<64x32xf32, #tpu.memory_space<vmem_shared>>
      %dma_start3A_51 = arith.constant 0 : i32
      %dma_start3A_52 = tpu.memref_slice %arg12[%mul3A_7, %dma_start3A_51] : memref<1024x32xf32, #tpu.memory_space<vmem_shared>> -> memref<64x32xf32, #tpu.memory_space<vmem_shared>>
      %dma_start3A_53 = arith.constant 0 : i32
      %dma_start3A_54 = arith.constant 0 : i32
      %dma_start3A_55 = tpu.memref_slice %arg8[%dma_start3A_53, %dma_start3A_54] : memref<400x32xf32, #tpu.memory_space<vmem>> -> memref<64x32xf32, #tpu.memory_space<vmem>>
      tpu.enqueue_dma source(%dma_start3A_55 : memref<64x32xf32, #tpu.memory_space<vmem>>) target(%dma_start3A_52 : memref<64x32xf32, #tpu.memory_space<vmem_shared>>) target_semaphore(%run_scoped3A : memref<!tpu.dma_semaphore, #tpu.memory_space<semaphore_mem>>)
      %dma_wait3A_56 = arith.constant 0 : i32
      %dma_wait3A_57 = arith.constant 0 : i32
      %dma_wait3A_58 = tpu.memref_slice %arg8[%dma_wait3A_56, %dma_wait3A_57] : memref<400x32xf32, #tpu.memory_space<vmem>> -> memref<64x32xf32, #tpu.memory_space<vmem>>
      %dma_wait3A_59 = arith.constant 0 : i32
      %dma_wait3A_60 = tpu.memref_slice %arg12[%mul3A_7, %dma_wait3A_59] : memref<1024x32xf32, #tpu.memory_space<vmem_shared>> -> memref<64x32xf32, #tpu.memory_space<vmem_shared>>
      %dma_wait3A_61 = arith.constant 0 : i32
      %dma_wait3A_62 = tpu.memref_slice %arg12[%mul3A_7, %dma_wait3A_61] : memref<1024x32xf32, #tpu.memory_space<vmem_shared>> -> memref<64x32xf32, #tpu.memory_space<vmem_shared>>
      %dma_wait3A_63 = arith.constant 0 : i32
      %dma_wait3A_64 = arith.constant 0 : i32
      %dma_wait3A_65 = tpu.memref_slice %arg8[%dma_wait3A_63, %dma_wait3A_64] : memref<400x32xf32, #tpu.memory_space<vmem>> -> memref<64x32xf32, #tpu.memory_space<vmem>>
      tpu.wait_dma2 semaphore(%run_scoped3A : memref<!tpu.dma_semaphore, #tpu.memory_space<semaphore_mem>>) src(%dma_wait3A_65 : memref<64x32xf32, #tpu.memory_space<vmem>>) dst(%dma_wait3A_62 : memref<64x32xf32, #tpu.memory_space<vmem_shared>>)
      tpu.yield
    }) : () -> ()
    %barrier3A = arith.constant 0 : index
    tpu.barrier barrier_id(%barrier3A)
    %iota3A = tpu.iota {dimensions = array<i32: 0>} : vector<16xi32>
    %eq3A = arith.constant 0 : i32
    %eq3A_8 = vector.broadcast %eq3A : i32 to vector<16xi32>
    %eq3A_9 = arith.cmpi eq, %iota3A, %eq3A_8 : vector<16xi32>
    %jit3A = arith.constant 1.000000e+00 : f32
    %jit3A_10 = arith.constant 0.000000e+00 : f32
    %broadcast_in_dim3A_11 = vector.broadcast %jit3A : f32 to vector<16xf32>
    %broadcast_in_dim3A_12 = vector.broadcast %jit3A_10 : f32 to vector<16xf32>
    %select_n3A = arith.select %eq3A_9, %broadcast_in_dim3A_11, %broadcast_in_dim3A_12 : vector<16xi1>, vector<16xf32>
    %parallel_loop3A_13 = arith.constant 0 : i32
    %parallel_loop3A_14 = arith.constant 400 : i32
    %parallel_loop3A_15 = arith.constant 1 : i32
    scf.for %parallel_loop3A_46 = %parallel_loop3A_13 to %parallel_loop3A_14 step %parallel_loop3A_15  : i32 {
      %parallel_loop3A_47 = arith.index_cast %parallel_loop3A_46 : i32 to index
      %parallel_loop3A_48 = arith.constant 0 : index
      %parallel_loop3A_49 = tpu.vector_load %arg8[%parallel_loop3A_47, %parallel_loop3A_48] {strides = array<i32>} : memref<400x32xf32, #tpu.memory_space<vmem>>, vector<1x16xf32>,
      %parallel_loop3A_50 = vector.shape_cast %parallel_loop3A_49 : vector<1x16xf32> to vector<16xf32>
      %parallel_loop3A_51 = vector.shape_cast %broadcast_in_dim3A_1 : vector<16xf32> to vector<1x16xf32>
      tpu.vector_store %arg8[%parallel_loop3A_47, %parallel_loop3A_48], %parallel_loop3A_51 {strides = array<i32>} : memref<400x32xf32, #tpu.memory_space<vmem>>, vector<1x16xf32>,
      %parallel_loop3A_52 = arith.index_cast %parallel_loop3A_46 : i32 to index
      %parallel_loop3A_53 = arith.constant 16 : index
      %parallel_loop3A_54 = tpu.vector_load %arg8[%parallel_loop3A_52, %parallel_loop3A_53] {strides = array<i32>} : memref<400x32xf32, #tpu.memory_space<vmem>>, vector<1x16xf32>,
      %parallel_loop3A_55 = vector.shape_cast %parallel_loop3A_54 : vector<1x16xf32> to vector<16xf32>
      %parallel_loop3A_56 = vector.shape_cast %select_n3A : vector<16xf32> to vector<1x16xf32>
      tpu.vector_store %arg8[%parallel_loop3A_52, %parallel_loop3A_53], %parallel_loop3A_56 {strides = array<i32>} : memref<400x32xf32, #tpu.memory_space<vmem>>, vector<1x16xf32>,
    } {sc.loop_unroll_factor = 4 : i64, sc.parallel_access}
    %mul3A_16 = arith.constant 10000 : i32
    %mul3A_17 = arith.muli %add3A, %mul3A_16 : i32
    %dma_start3A = arith.constant 0 : i32
    %dma_start3A_18 = tpu.memref_slice %arg2[%mul3A_17, %dma_start3A] : memref<320000x128xf32, #tpu.memory_space<hbm>> -> memref<400x128xf32, #tpu.memory_space<hbm>>
    %dma_start3A_19 = arith.constant 0 : i32
    %dma_start3A_20 = tpu.memref_slice %arg2[%mul3A_17, %dma_start3A_19] : memref<320000x128xf32, #tpu.memory_space<hbm>> -> memref<400x128xf32, #tpu.memory_space<hbm>>
    tpu.enqueue_dma source(%dma_start3A_20 : memref<400x128xf32, #tpu.memory_space<hbm>>) target(%arg6 : memref<400x128xf32, #tpu.memory_space<vmem>>) target_semaphore(%arg13 : memref<!tpu.dma_semaphore, #tpu.memory_space<semaphore_mem>>)
    %dma_start3A_21 = tpu.memref_slice %arg3[%mul3A_17] : memref<320000xi32, #tpu.memory_space<hbm>> -> memref<400xi32, #tpu.memory_space<hbm>>
    %dma_start3A_22 = tpu.memref_slice %arg3[%mul3A_17] : memref<320000xi32, #tpu.memory_space<hbm>> -> memref<400xi32, #tpu.memory_space<hbm>>
    tpu.enqueue_dma source(%dma_start3A_22 : memref<400xi32, #tpu.memory_space<hbm>>) target(%arg9 : memref<400xi32, #tpu.memory_space<vmem>>) target_semaphore(%arg15 : memref<!tpu.dma_semaphore, #tpu.memory_space<semaphore_mem>>)
    %scan3A = arith.constant 0 : i32
    %scan3A_23 = arith.constant 0 : i32
    %scan3A_24 = arith.constant 13 : i32
    %scan3A_25 = arith.addi %scan3A_23, %scan3A_24 : i32
    %scan3A_26 = arith.constant 1 : i32
    %scan3A_27 = scf.for %scan3A_46 = %scan3A_23 to %scan3A_25 step %scan3A_26 iter_args(%scan3A_47 = %scan3A) -> (i32)  : i32 {
      %mul3A_48 = arith.constant 2 : i32
      %mul3A_49 = arith.muli %scan3A_46, %mul3A_48 : i32
      %mul3A_50 = arith.constant 400 : i32
      %mul3A_51 = arith.muli %mul3A_49, %mul3A_50 : i32
      %add3A_52 = arith.addi %mul3A_17, %mul3A_51 : i32
      %multiple_of3A = tpu.assume_multiple %add3A_52, 8 : i32
      %add3A_53 = arith.constant 0 : i32
      %add3A_54 = arith.addi %multiple_of3A, %add3A_53 : i32
      %dma_wait3A_55 = arith.constant 0 : i32
      %dma_wait3A_56 = tpu.memref_slice %arg2[%add3A_54, %dma_wait3A_55] : memref<320000x128xf32, #tpu.memory_space<hbm>> -> memref<400x128xf32, #tpu.memory_space<hbm>>
      %dma_wait3A_57 = arith.constant 0 : i32
      %dma_wait3A_58 = tpu.memref_slice %arg2[%add3A_54, %dma_wait3A_57] : memref<320000x128xf32, #tpu.memory_space<hbm>> -> memref<400x128xf32, #tpu.memory_space<hbm>>
      tpu.wait_dma2 semaphore(%arg13 : memref<!tpu.dma_semaphore, #tpu.memory_space<semaphore_mem>>) src(%dma_wait3A_58 : memref<400x128xf32, #tpu.memory_space<hbm>>) dst(%arg6 : memref<400x128xf32, #tpu.memory_space<vmem>>)
      %add3A_59 = arith.constant 0 : i32
      %add3A_60 = arith.addi %multiple_of3A, %add3A_59 : i32
      %dma_wait3A_61 = tpu.memref_slice %arg3[%add3A_60] : memref<320000xi32, #tpu.memory_space<hbm>> -> memref<400xi32, #tpu.memory_space<hbm>>
      %dma_wait3A_62 = tpu.memref_slice %arg3[%add3A_60] : memref<320000xi32, #tpu.memory_space<hbm>> -> memref<400xi32, #tpu.memory_space<hbm>>
      tpu.wait_dma2 semaphore(%arg15 : memref<!tpu.dma_semaphore, #tpu.memory_space<semaphore_mem>>) src(%dma_wait3A_62 : memref<400xi32, #tpu.memory_space<hbm>>) dst(%arg9 : memref<400xi32, #tpu.memory_space<vmem>>)
      %gt3A = arith.constant 0 : i32
      %gt3A_63 = arith.cmpi sgt, %scan3A_46, %gt3A : i32
      %convert_element_type3A = arith.extui %gt3A_63 : i1 to i32
      %cond3A = arith.constant 0 : i32
      %cond3A_64 = arith.cmpi ne, %convert_element_type3A, %cond3A : i32
      scf.if %cond3A_64 {
        %dma_wait3A_94 = arith.constant 0 : i32
        %dma_wait3A_95 = arith.constant 0 : i32
        %dma_wait3A_96 = tpu.memref_slice %arg12[%dma_wait3A_94, %dma_wait3A_95] : memref<1024x32xf32, #tpu.memory_space<vmem_shared>> -> memref<1024x32xf32, #tpu.memory_space<vmem_shared>>
        tpu.wait_indirect_dma semaphore(%arg19 : memref<!tpu.dma_semaphore, #tpu.memory_space<semaphore_mem>>) src(%arg8 : memref<400x32xf32, #tpu.memory_space<vmem>>) dst(%dma_wait3A_96 : memref<1024x32xf32, #tpu.memory_space<vmem_shared>>)
      } else {
      }
      %parallel_loop3A_65 = arith.constant 0 : i32
      %parallel_loop3A_66 = arith.constant 400 : i32
      %parallel_loop3A_67 = arith.constant 1 : i32
      scf.for %parallel_loop3A_94 = %parallel_loop3A_65 to %parallel_loop3A_66 step %parallel_loop3A_67  : i32 {
        %parallel_loop3A_95 = arith.index_cast %parallel_loop3A_94 : i32 to index
        %parallel_loop3A_96 = arith.constant 0 : index
        %parallel_loop3A_97 = tpu.vector_load %arg6[%parallel_loop3A_95, %parallel_loop3A_96] {strides = array<i32>} : memref<400x128xf32, #tpu.memory_space<vmem>>, vector<1x16xf32>,
        %parallel_loop3A_98 = vector.shape_cast %parallel_loop3A_97 : vector<1x16xf32> to vector<16xf32>
        %parallel_loop3A_99 = arith.mulf %parallel_loop3A_98, %parallel_loop3A_98 : vector<16xf32>
        %parallel_loop3A_100 = arith.addf %broadcast_in_dim3A_1, %parallel_loop3A_99 : vector<16xf32>
        %parallel_loop3A_101 = arith.index_cast %parallel_loop3A_94 : i32 to index
        %parallel_loop3A_102 = arith.constant 16 : index
        %parallel_loop3A_103 = tpu.vector_load %arg6[%parallel_loop3A_101, %parallel_loop3A_102] {strides = array<i32>} : memref<400x128xf32, #tpu.memory_space<vmem>>, vector<1x16xf32>,
        %parallel_loop3A_104 = vector.shape_cast %parallel_loop3A_103 : vector<1x16xf32> to vector<16xf32>
        %parallel_loop3A_105 = arith.mulf %parallel_loop3A_104, %parallel_loop3A_104 : vector<16xf32>
        %parallel_loop3A_106 = arith.addf %parallel_loop3A_100, %parallel_loop3A_105 : vector<16xf32>
        %parallel_loop3A_107 = arith.index_cast %parallel_loop3A_94 : i32 to index
        %parallel_loop3A_108 = arith.constant 32 : index
        %parallel_loop3A_109 = tpu.vector_load %arg6[%parallel_loop3A_107, %parallel_loop3A_108] {strides = array<i32>} : memref<400x128xf32, #tpu.memory_space<vmem>>, vector<1x16xf32>,
        %parallel_loop3A_110 = vector.shape_cast %parallel_loop3A_109 : vector<1x16xf32> to vector<16xf32>
        %parallel_loop3A_111 = arith.mulf %parallel_loop3A_110, %parallel_loop3A_110 : vector<16xf32>
        %parallel_loop3A_112 = arith.addf %parallel_loop3A_106, %parallel_loop3A_111 : vector<16xf32>
        %parallel_loop3A_113 = arith.index_cast %parallel_loop3A_94 : i32 to index
        %parallel_loop3A_114 = arith.constant 48 : index
        %parallel_loop3A_115 = tpu.vector_load %arg6[%parallel_loop3A_113, %parallel_loop3A_114] {strides = array<i32>} : memref<400x128xf32, #tpu.memory_space<vmem>>, vector<1x16xf32>,
        %parallel_loop3A_116 = vector.shape_cast %parallel_loop3A_115 : vector<1x16xf32> to vector<16xf32>
        %parallel_loop3A_117 = arith.mulf %parallel_loop3A_116, %parallel_loop3A_116 : vector<16xf32>
        %parallel_loop3A_118 = arith.addf %parallel_loop3A_112, %parallel_loop3A_117 : vector<16xf32>
        %parallel_loop3A_119 = arith.index_cast %parallel_loop3A_94 : i32 to index
        %parallel_loop3A_120 = arith.constant 64 : index
        %parallel_loop3A_121 = tpu.vector_load %arg6[%parallel_loop3A_119, %parallel_loop3A_120] {strides = array<i32>} : memref<400x128xf32, #tpu.memory_space<vmem>>, vector<1x16xf32>,
        %parallel_loop3A_122 = vector.shape_cast %parallel_loop3A_121 : vector<1x16xf32> to vector<16xf32>
        %parallel_loop3A_123 = arith.mulf %parallel_loop3A_122, %parallel_loop3A_122 : vector<16xf32>
        %parallel_loop3A_124 = arith.addf %parallel_loop3A_118, %parallel_loop3A_123 : vector<16xf32>
        %parallel_loop3A_125 = arith.index_cast %parallel_loop3A_94 : i32 to index
        %parallel_loop3A_126 = arith.constant 80 : index
        %parallel_loop3A_127 = tpu.vector_load %arg6[%parallel_loop3A_125, %parallel_loop3A_126] {strides = array<i32>} : memref<400x128xf32, #tpu.memory_space<vmem>>, vector<1x16xf32>,
        %parallel_loop3A_128 = vector.shape_cast %parallel_loop3A_127 : vector<1x16xf32> to vector<16xf32>
        %parallel_loop3A_129 = arith.mulf %parallel_loop3A_128, %parallel_loop3A_128 : vector<16xf32>
        %parallel_loop3A_130 = arith.addf %parallel_loop3A_124, %parallel_loop3A_129 : vector<16xf32>
        %parallel_loop3A_131 = arith.index_cast %parallel_loop3A_94 : i32 to index
        %parallel_loop3A_132 = arith.constant 96 : index
        %parallel_loop3A_133 = tpu.vector_load %arg6[%parallel_loop3A_131, %parallel_loop3A_132] {strides = array<i32>} : memref<400x128xf32, #tpu.memory_space<vmem>>, vector<1x16xf32>,
        %parallel_loop3A_134 = vector.shape_cast %parallel_loop3A_133 : vector<1x16xf32> to vector<16xf32>
        %parallel_loop3A_135 = arith.mulf %parallel_loop3A_134, %parallel_loop3A_134 : vector<16xf32>
        %parallel_loop3A_136 = arith.addf %parallel_loop3A_130, %parallel_loop3A_135 : vector<16xf32>
        %parallel_loop3A_137 = arith.index_cast %parallel_loop3A_94 : i32 to index
        %parallel_loop3A_138 = arith.constant 112 : index
        %parallel_loop3A_139 = tpu.vector_load %arg6[%parallel_loop3A_137, %parallel_loop3A_138] {strides = array<i32>} : memref<400x128xf32, #tpu.memory_space<vmem>>, vector<1x16xf32>,
        %parallel_loop3A_140 = vector.shape_cast %parallel_loop3A_139 : vector<1x16xf32> to vector<16xf32>
        %parallel_loop3A_141 = arith.mulf %parallel_loop3A_140, %parallel_loop3A_140 : vector<16xf32>
        %parallel_loop3A_142 = arith.addf %parallel_loop3A_136, %parallel_loop3A_141 : vector<16xf32>
        %parallel_loop3A_143 = arith.index_cast %parallel_loop3A_94 : i32 to index
        %parallel_loop3A_144 = arith.constant 0 : index
        %parallel_loop3A_145 = tpu.vector_load %arg8[%parallel_loop3A_143, %parallel_loop3A_144] {strides = array<i32>} : memref<400x32xf32, #tpu.memory_space<vmem>>, vector<1x16xf32>,
        %parallel_loop3A_146 = vector.shape_cast %parallel_loop3A_145 : vector<1x16xf32> to vector<16xf32>
        %parallel_loop3A_147 = vector.shape_cast %parallel_loop3A_142 : vector<16xf32> to vector<1x16xf32>
        tpu.vector_store %arg8[%parallel_loop3A_143, %parallel_loop3A_144], %parallel_loop3A_147 {strides = array<i32>} : memref<400x32xf32, #tpu.memory_space<vmem>>, vector<1x16xf32>,
      } {sc.loop_unroll_factor = 4 : i64, sc.parallel_access}
      %dma_start3A_68 = arith.constant 0 : i32
      %dma_start3A_69 = arith.constant 0 : i32
      %dma_start3A_70 = tpu.memref_slice %arg11[%dma_start3A_68, %dma_start3A_69] : memref<1024x128xf32, #tpu.memory_space<vmem_shared>> -> memref<1024x128xf32, #tpu.memory_space<vmem_shared>>
      tpu.enqueue_indirect_dma source(%arg6 : memref<400x128xf32, #tpu.memory_space<vmem>>) target(%dma_start3A_70 : memref<1024x128xf32, #tpu.memory_space<vmem_shared>>) offsets(%arg9 : memref<400xi32, #tpu.memory_space<vmem>>) semaphore(%arg17 : memref<!tpu.dma_semaphore, #tpu.memory_space<semaphore_mem>>) {add = true}
      %dma_start3A_71 = arith.constant 0 : i32
      %dma_start3A_72 = arith.constant 0 : i32
      %dma_start3A_73 = tpu.memref_slice %arg12[%dma_start3A_71, %dma_start3A_72] : memref<1024x32xf32, #tpu.memory_space<vmem_shared>> -> memref<1024x32xf32, #tpu.memory_space<vmem_shared>>
      tpu.enqueue_indirect_dma source(%arg8 : memref<400x32xf32, #tpu.memory_space<vmem>>) target(%dma_start3A_73 : memref<1024x32xf32, #tpu.memory_space<vmem_shared>>) offsets(%arg9 : memref<400xi32, #tpu.memory_space<vmem>>) semaphore(%arg19 : memref<!tpu.dma_semaphore, #tpu.memory_space<semaphore_mem>>) {add = true}
      %add3A_74 = arith.constant 400 : i32
      %add3A_75 = arith.addi %multiple_of3A, %add3A_74 : i32
      %multiple_of3A_76 = tpu.assume_multiple %add3A_75, 8 : i32
      %eq3A_77 = arith.constant 0 : i32
      %eq3A_78 = arith.cmpi eq, %scan3A_46, %eq3A_77 : i32
      %convert_element_type3A_79 = arith.extui %eq3A_78 : i1 to i32
      %cond3A_80 = arith.constant 0 : i32
      %cond3A_81 = arith.cmpi ne, %convert_element_type3A_79, %cond3A_80 : i32
      scf.if %cond3A_81 {
        %dma_start3A_94 = arith.constant 0 : i32
        %dma_start3A_95 = tpu.memref_slice %arg2[%multiple_of3A_76, %dma_start3A_94] : memref<320000x128xf32, #tpu.memory_space<hbm>> -> memref<400x128xf32, #tpu.memory_space<hbm>>
        %dma_start3A_96 = arith.constant 0 : i32
        %dma_start3A_97 = tpu.memref_slice %arg2[%multiple_of3A_76, %dma_start3A_96] : memref<320000x128xf32, #tpu.memory_space<hbm>> -> memref<400x128xf32, #tpu.memory_space<hbm>>
        tpu.enqueue_dma source(%dma_start3A_97 : memref<400x128xf32, #tpu.memory_space<hbm>>) target(%arg7 : memref<400x128xf32, #tpu.memory_space<vmem>>) target_semaphore(%arg14 : memref<!tpu.dma_semaphore, #tpu.memory_space<semaphore_mem>>)
        %dma_start3A_98 = tpu.memref_slice %arg3[%multiple_of3A_76] : memref<320000xi32, #tpu.memory_space<hbm>> -> memref<400xi32, #tpu.memory_space<hbm>>
        %dma_start3A_99 = tpu.memref_slice %arg3[%multiple_of3A_76] : memref<320000xi32, #tpu.memory_space<hbm>> -> memref<400xi32, #tpu.memory_space<hbm>>
        tpu.enqueue_dma source(%dma_start3A_99 : memref<400xi32, #tpu.memory_space<hbm>>) target(%arg10 : memref<400xi32, #tpu.memory_space<vmem>>) target_semaphore(%arg16 : memref<!tpu.dma_semaphore, #tpu.memory_space<semaphore_mem>>)
      } else {
      }
      %gt3A_82 = arith.constant 0 : i32
      %gt3A_83 = arith.cmpi sgt, %scan3A_46, %gt3A_82 : i32
      %lt3A = arith.constant 12 : i32
      %lt3A_84 = arith.cmpi slt, %scan3A_46, %lt3A : i32
      %and3A = arith.andi %gt3A_83, %lt3A_84 : i1
      %convert_element_type3A_85 = arith.extui %and3A : i1 to i32
      %cond3A_86 = arith.constant 0 : i32
      %cond3A_87 = arith.cmpi ne, %convert_element_type3A_85, %cond3A_86 : i32
      scf.if %cond3A_87 {
        %dma_wait3A_94 = arith.constant 0 : i32
        %dma_wait3A_95 = arith.constant 0 : i32
        %dma_wait3A_96 = tpu.memref_slice %arg11[%dma_wait3A_94, %dma_wait3A_95] : memref<1024x128xf32, #tpu.memory_space<vmem_shared>> -> memref<1024x128xf32, #tpu.memory_space<vmem_shared>>
        tpu.wait_indirect_dma semaphore(%arg18 : memref<!tpu.dma_semaphore, #tpu.memory_space<semaphore_mem>>) src(%arg7 : memref<400x128xf32, #tpu.memory_space<vmem>>) dst(%dma_wait3A_96 : memref<1024x128xf32, #tpu.memory_space<vmem_shared>>)
        %dma_start3A_97 = arith.constant 0 : i32
        %dma_start3A_98 = tpu.memref_slice %arg2[%multiple_of3A_76, %dma_start3A_97] : memref<320000x128xf32, #tpu.memory_space<hbm>> -> memref<400x128xf32, #tpu.memory_space<hbm>>
        %dma_start3A_99 = arith.constant 0 : i32
        %dma_start3A_100 = tpu.memref_slice %arg2[%multiple_of3A_76, %dma_start3A_99] : memref<320000x128xf32, #tpu.memory_space<hbm>> -> memref<400x128xf32, #tpu.memory_space<hbm>>
        tpu.enqueue_dma source(%dma_start3A_100 : memref<400x128xf32, #tpu.memory_space<hbm>>) target(%arg7 : memref<400x128xf32, #tpu.memory_space<vmem>>) target_semaphore(%arg14 : memref<!tpu.dma_semaphore, #tpu.memory_space<semaphore_mem>>)
        %dma_start3A_101 = tpu.memref_slice %arg3[%multiple_of3A_76] : memref<320000xi32, #tpu.memory_space<hbm>> -> memref<400xi32, #tpu.memory_space<hbm>>
        %dma_start3A_102 = tpu.memref_slice %arg3[%multiple_of3A_76] : memref<320000xi32, #tpu.memory_space<hbm>> -> memref<400xi32, #tpu.memory_space<hbm>>
        tpu.enqueue_dma source(%dma_start3A_102 : memref<400xi32, #tpu.memory_space<hbm>>) target(%arg10 : memref<400xi32, #tpu.memory_space<vmem>>) target_semaphore(%arg16 : memref<!tpu.dma_semaphore, #tpu.memory_space<semaphore_mem>>)
      } else {
      }
      %lt3A_88 = arith.constant 12 : i32
      %lt3A_89 = arith.cmpi slt, %scan3A_46, %lt3A_88 : i32
      %convert_element_type3A_90 = arith.extui %lt3A_89 : i1 to i32
      %cond3A_91 = arith.constant 0 : i32
      %cond3A_92 = arith.cmpi ne, %convert_element_type3A_90, %cond3A_91 : i32
      scf.if %cond3A_92 {
        %add3A_94 = arith.constant 400 : i32
        %add3A_95 = arith.addi %multiple_of3A, %add3A_94 : i32
        %dma_wait3A_96 = arith.constant 0 : i32
        %dma_wait3A_97 = tpu.memref_slice %arg2[%add3A_95, %dma_wait3A_96] : memref<320000x128xf32, #tpu.memory_space<hbm>> -> memref<400x128xf32, #tpu.memory_space<hbm>>
        %dma_wait3A_98 = arith.constant 0 : i32
        %dma_wait3A_99 = tpu.memref_slice %arg2[%add3A_95, %dma_wait3A_98] : memref<320000x128xf32, #tpu.memory_space<hbm>> -> memref<400x128xf32, #tpu.memory_space<hbm>>
        tpu.wait_dma2 semaphore(%arg14 : memref<!tpu.dma_semaphore, #tpu.memory_space<semaphore_mem>>) src(%dma_wait3A_99 : memref<400x128xf32, #tpu.memory_space<hbm>>) dst(%arg7 : memref<400x128xf32, #tpu.memory_space<vmem>>)
        %add3A_100 = arith.constant 400 : i32
        %add3A_101 = arith.addi %multiple_of3A, %add3A_100 : i32
        %dma_wait3A_102 = tpu.memref_slice %arg3[%add3A_101] : memref<320000xi32, #tpu.memory_space<hbm>> -> memref<400xi32, #tpu.memory_space<hbm>>
        %dma_wait3A_103 = tpu.memref_slice %arg3[%add3A_101] : memref<320000xi32, #tpu.memory_space<hbm>> -> memref<400xi32, #tpu.memory_space<hbm>>
        tpu.wait_dma2 semaphore(%arg16 : memref<!tpu.dma_semaphore, #tpu.memory_space<semaphore_mem>>) src(%dma_wait3A_103 : memref<400xi32, #tpu.memory_space<hbm>>) dst(%arg10 : memref<400xi32, #tpu.memory_space<vmem>>)
        %dma_wait3A_104 = arith.constant 0 : i32
        %dma_wait3A_105 = arith.constant 0 : i32
        %dma_wait3A_106 = tpu.memref_slice %arg12[%dma_wait3A_104, %dma_wait3A_105] : memref<1024x32xf32, #tpu.memory_space<vmem_shared>> -> memref<1024x32xf32, #tpu.memory_space<vmem_shared>>
        tpu.wait_indirect_dma semaphore(%arg19 : memref<!tpu.dma_semaphore, #tpu.memory_space<semaphore_mem>>) src(%arg8 : memref<400x32xf32, #tpu.memory_space<vmem>>) dst(%dma_wait3A_106 : memref<1024x32xf32, #tpu.memory_space<vmem_shared>>)
        %parallel_loop3A_107 = arith.constant 0 : i32
        %parallel_loop3A_108 = arith.constant 400 : i32
        %parallel_loop3A_109 = arith.constant 1 : i32
        scf.for %parallel_loop3A_124 = %parallel_loop3A_107 to %parallel_loop3A_108 step %parallel_loop3A_109  : i32 {
          %parallel_loop3A_125 = arith.index_cast %parallel_loop3A_124 : i32 to index
          %parallel_loop3A_126 = arith.constant 0 : index
          %parallel_loop3A_127 = tpu.vector_load %arg7[%parallel_loop3A_125, %parallel_loop3A_126] {strides = array<i32>} : memref<400x128xf32, #tpu.memory_space<vmem>>, vector<1x16xf32>,
          %parallel_loop3A_128 = vector.shape_cast %parallel_loop3A_127 : vector<1x16xf32> to vector<16xf32>
          %parallel_loop3A_129 = arith.mulf %parallel_loop3A_128, %parallel_loop3A_128 : vector<16xf32>
          %parallel_loop3A_130 = arith.addf %broadcast_in_dim3A_1, %parallel_loop3A_129 : vector<16xf32>
          %parallel_loop3A_131 = arith.index_cast %parallel_loop3A_124 : i32 to index
          %parallel_loop3A_132 = arith.constant 16 : index
          %parallel_loop3A_133 = tpu.vector_load %arg7[%parallel_loop3A_131, %parallel_loop3A_132] {strides = array<i32>} : memref<400x128xf32, #tpu.memory_space<vmem>>, vector<1x16xf32>,
          %parallel_loop3A_134 = vector.shape_cast %parallel_loop3A_133 : vector<1x16xf32> to vector<16xf32>
          %parallel_loop3A_135 = arith.mulf %parallel_loop3A_134, %parallel_loop3A_134 : vector<16xf32>
          %parallel_loop3A_136 = arith.addf %parallel_loop3A_130, %parallel_loop3A_135 : vector<16xf32>
          %parallel_loop3A_137 = arith.index_cast %parallel_loop3A_124 : i32 to index
          %parallel_loop3A_138 = arith.constant 32 : index
          %parallel_loop3A_139 = tpu.vector_load %arg7[%parallel_loop3A_137, %parallel_loop3A_138] {strides = array<i32>} : memref<400x128xf32, #tpu.memory_space<vmem>>, vector<1x16xf32>,
          %parallel_loop3A_140 = vector.shape_cast %parallel_loop3A_139 : vector<1x16xf32> to vector<16xf32>
          %parallel_loop3A_141 = arith.mulf %parallel_loop3A_140, %parallel_loop3A_140 : vector<16xf32>
          %parallel_loop3A_142 = arith.addf %parallel_loop3A_136, %parallel_loop3A_141 : vector<16xf32>
          %parallel_loop3A_143 = arith.index_cast %parallel_loop3A_124 : i32 to index
          %parallel_loop3A_144 = arith.constant 48 : index
          %parallel_loop3A_145 = tpu.vector_load %arg7[%parallel_loop3A_143, %parallel_loop3A_144] {strides = array<i32>} : memref<400x128xf32, #tpu.memory_space<vmem>>, vector<1x16xf32>,
          %parallel_loop3A_146 = vector.shape_cast %parallel_loop3A_145 : vector<1x16xf32> to vector<16xf32>
          %parallel_loop3A_147 = arith.mulf %parallel_loop3A_146, %parallel_loop3A_146 : vector<16xf32>
          %parallel_loop3A_148 = arith.addf %parallel_loop3A_142, %parallel_loop3A_147 : vector<16xf32>
          %parallel_loop3A_149 = arith.index_cast %parallel_loop3A_124 : i32 to index
          %parallel_loop3A_150 = arith.constant 64 : index
          %parallel_loop3A_151 = tpu.vector_load %arg7[%parallel_loop3A_149, %parallel_loop3A_150] {strides = array<i32>} : memref<400x128xf32, #tpu.memory_space<vmem>>, vector<1x16xf32>,
          %parallel_loop3A_152 = vector.shape_cast %parallel_loop3A_151 : vector<1x16xf32> to vector<16xf32>
          %parallel_loop3A_153 = arith.mulf %parallel_loop3A_152, %parallel_loop3A_152 : vector<16xf32>
          %parallel_loop3A_154 = arith.addf %parallel_loop3A_148, %parallel_loop3A_153 : vector<16xf32>
          %parallel_loop3A_155 = arith.index_cast %parallel_loop3A_124 : i32 to index
          %parallel_loop3A_156 = arith.constant 80 : index
          %parallel_loop3A_157 = tpu.vector_load %arg7[%parallel_loop3A_155, %parallel_loop3A_156] {strides = array<i32>} : memref<400x128xf32, #tpu.memory_space<vmem>>, vector<1x16xf32>,
          %parallel_loop3A_158 = vector.shape_cast %parallel_loop3A_157 : vector<1x16xf32> to vector<16xf32>
          %parallel_loop3A_159 = arith.mulf %parallel_loop3A_158, %parallel_loop3A_158 : vector<16xf32>
          %parallel_loop3A_160 = arith.addf %parallel_loop3A_154, %parallel_loop3A_159 : vector<16xf32>
          %parallel_loop3A_161 = arith.index_cast %parallel_loop3A_124 : i32 to index
          %parallel_loop3A_162 = arith.constant 96 : index
          %parallel_loop3A_163 = tpu.vector_load %arg7[%parallel_loop3A_161, %parallel_loop3A_162] {strides = array<i32>} : memref<400x128xf32, #tpu.memory_space<vmem>>, vector<1x16xf32>,
          %parallel_loop3A_164 = vector.shape_cast %parallel_loop3A_163 : vector<1x16xf32> to vector<16xf32>
          %parallel_loop3A_165 = arith.mulf %parallel_loop3A_164, %parallel_loop3A_164 : vector<16xf32>
          %parallel_loop3A_166 = arith.addf %parallel_loop3A_160, %parallel_loop3A_165 : vector<16xf32>
          %parallel_loop3A_167 = arith.index_cast %parallel_loop3A_124 : i32 to index
          %parallel_loop3A_168 = arith.constant 112 : index
          %parallel_loop3A_169 = tpu.vector_load %arg7[%parallel_loop3A_167, %parallel_loop3A_168] {strides = array<i32>} : memref<400x128xf32, #tpu.memory_space<vmem>>, vector<1x16xf32>,
          %parallel_loop3A_170 = vector.shape_cast %parallel_loop3A_169 : vector<1x16xf32> to vector<16xf32>
          %parallel_loop3A_171 = arith.mulf %parallel_loop3A_170, %parallel_loop3A_170 : vector<16xf32>
          %parallel_loop3A_172 = arith.addf %parallel_loop3A_166, %parallel_loop3A_171 : vector<16xf32>
          %parallel_loop3A_173 = arith.index_cast %parallel_loop3A_124 : i32 to index
          %parallel_loop3A_174 = arith.constant 0 : index
          %parallel_loop3A_175 = tpu.vector_load %arg8[%parallel_loop3A_173, %parallel_loop3A_174] {strides = array<i32>} : memref<400x32xf32, #tpu.memory_space<vmem>>, vector<1x16xf32>,
          %parallel_loop3A_176 = vector.shape_cast %parallel_loop3A_175 : vector<1x16xf32> to vector<16xf32>
          %parallel_loop3A_177 = vector.shape_cast %parallel_loop3A_172 : vector<16xf32> to vector<1x16xf32>
          tpu.vector_store %arg8[%parallel_loop3A_173, %parallel_loop3A_174], %parallel_loop3A_177 {strides = array<i32>} : memref<400x32xf32, #tpu.memory_space<vmem>>, vector<1x16xf32>,
        } {sc.loop_unroll_factor = 4 : i64, sc.parallel_access}
        %dma_start3A_110 = arith.constant 0 : i32
        %dma_start3A_111 = arith.constant 0 : i32
        %dma_start3A_112 = tpu.memref_slice %arg11[%dma_start3A_110, %dma_start3A_111] : memref<1024x128xf32, #tpu.memory_space<vmem_shared>> -> memref<1024x128xf32, #tpu.memory_space<vmem_shared>>
        tpu.enqueue_indirect_dma source(%arg7 : memref<400x128xf32, #tpu.memory_space<vmem>>) target(%dma_start3A_112 : memref<1024x128xf32, #tpu.memory_space<vmem_shared>>) offsets(%arg10 : memref<400xi32, #tpu.memory_space<vmem>>) semaphore(%arg18 : memref<!tpu.dma_semaphore, #tpu.memory_space<semaphore_mem>>) {add = true}
        %dma_start3A_113 = arith.constant 0 : i32
        %dma_start3A_114 = arith.constant 0 : i32
        %dma_start3A_115 = tpu.memref_slice %arg12[%dma_start3A_113, %dma_start3A_114] : memref<1024x32xf32, #tpu.memory_space<vmem_shared>> -> memref<1024x32xf32, #tpu.memory_space<vmem_shared>>
        tpu.enqueue_indirect_dma source(%arg8 : memref<400x32xf32, #tpu.memory_space<vmem>>) target(%dma_start3A_115 : memref<1024x32xf32, #tpu.memory_space<vmem_shared>>) offsets(%arg10 : memref<400xi32, #tpu.memory_space<vmem>>) semaphore(%arg19 : memref<!tpu.dma_semaphore, #tpu.memory_space<semaphore_mem>>) {add = true}
        %add3A_116 = arith.constant 800 : i32
        %add3A_117 = arith.addi %multiple_of3A, %add3A_116 : i32
        %multiple_of3A_118 = tpu.assume_multiple %add3A_117, 8 : i32
        %lt3A_119 = arith.constant 12 : i32
        %lt3A_120 = arith.cmpi slt, %scan3A_46, %lt3A_119 : i32
        %convert_element_type3A_121 = arith.extui %lt3A_120 : i1 to i32
        %cond3A_122 = arith.constant 0 : i32
        %cond3A_123 = arith.cmpi ne, %convert_element_type3A_121, %cond3A_122 : i32
        scf.if %cond3A_123 {
          %dma_wait3A_124 = arith.constant 0 : i32
          %dma_wait3A_125 = arith.constant 0 : i32
          %dma_wait3A_126 = tpu.memref_slice %arg11[%dma_wait3A_124, %dma_wait3A_125] : memref<1024x128xf32, #tpu.memory_space<vmem_shared>> -> memref<1024x128xf32, #tpu.memory_space<vmem_shared>>
          tpu.wait_indirect_dma semaphore(%arg17 : memref<!tpu.dma_semaphore, #tpu.memory_space<semaphore_mem>>) src(%arg6 : memref<400x128xf32, #tpu.memory_space<vmem>>) dst(%dma_wait3A_126 : memref<1024x128xf32, #tpu.memory_space<vmem_shared>>)
          %dma_start3A_127 = arith.constant 0 : i32
          %dma_start3A_128 = tpu.memref_slice %arg2[%multiple_of3A_118, %dma_start3A_127] : memref<320000x128xf32, #tpu.memory_space<hbm>> -> memref<400x128xf32, #tpu.memory_space<hbm>>
          %dma_start3A_129 = arith.constant 0 : i32
          %dma_start3A_130 = tpu.memref_slice %arg2[%multiple_of3A_118, %dma_start3A_129] : memref<320000x128xf32, #tpu.memory_space<hbm>> -> memref<400x128xf32, #tpu.memory_space<hbm>>
          tpu.enqueue_dma source(%dma_start3A_130 : memref<400x128xf32, #tpu.memory_space<hbm>>) target(%arg6 : memref<400x128xf32, #tpu.memory_space<vmem>>) target_semaphore(%arg13 : memref<!tpu.dma_semaphore, #tpu.memory_space<semaphore_mem>>)
          %dma_start3A_131 = tpu.memref_slice %arg3[%multiple_of3A_118] : memref<320000xi32, #tpu.memory_space<hbm>> -> memref<400xi32, #tpu.memory_space<hbm>>
          %dma_start3A_132 = tpu.memref_slice %arg3[%multiple_of3A_118] : memref<320000xi32, #tpu.memory_space<hbm>> -> memref<400xi32, #tpu.memory_space<hbm>>
          tpu.enqueue_dma source(%dma_start3A_132 : memref<400xi32, #tpu.memory_space<hbm>>) target(%arg9 : memref<400xi32, #tpu.memory_space<vmem>>) target_semaphore(%arg15 : memref<!tpu.dma_semaphore, #tpu.memory_space<semaphore_mem>>)
        } else {
        }
      } else {
      }
      %scan3A_93 = arith.constant 0 : i32
      scf.yield %scan3A_93 : i32
    }
    %scan3A_28 = arith.constant 13 : i32
    %dma_wait3A = arith.constant 0 : i32
    %dma_wait3A_29 = arith.constant 0 : i32
    %dma_wait3A_30 = tpu.memref_slice %arg11[%dma_wait3A, %dma_wait3A_29] : memref<1024x128xf32, #tpu.memory_space<vmem_shared>> -> memref<1024x128xf32, #tpu.memory_space<vmem_shared>>
    tpu.wait_indirect_dma semaphore(%arg17 : memref<!tpu.dma_semaphore, #tpu.memory_space<semaphore_mem>>) src(%arg6 : memref<400x128xf32, #tpu.memory_space<vmem>>) dst(%dma_wait3A_30 : memref<1024x128xf32, #tpu.memory_space<vmem_shared>>)
    %dma_wait3A_31 = arith.constant 0 : i32
    %dma_wait3A_32 = arith.constant 0 : i32
    %dma_wait3A_33 = tpu.memref_slice %arg11[%dma_wait3A_31, %dma_wait3A_32] : memref<1024x128xf32, #tpu.memory_space<vmem_shared>> -> memref<1024x128xf32, #tpu.memory_space<vmem_shared>>
    tpu.wait_indirect_dma semaphore(%arg18 : memref<!tpu.dma_semaphore, #tpu.memory_space<semaphore_mem>>) src(%arg7 : memref<400x128xf32, #tpu.memory_space<vmem>>) dst(%dma_wait3A_33 : memref<1024x128xf32, #tpu.memory_space<vmem_shared>>)
    %dma_wait3A_34 = arith.constant 0 : i32
    %dma_wait3A_35 = arith.constant 0 : i32
    %dma_wait3A_36 = tpu.memref_slice %arg12[%dma_wait3A_34, %dma_wait3A_35] : memref<1024x32xf32, #tpu.memory_space<vmem_shared>> -> memref<1024x32xf32, #tpu.memory_space<vmem_shared>>
    tpu.wait_indirect_dma semaphore(%arg19 : memref<!tpu.dma_semaphore, #tpu.memory_space<semaphore_mem>>) src(%arg8 : memref<400x32xf32, #tpu.memory_space<vmem>>) dst(%dma_wait3A_36 : memref<1024x32xf32, #tpu.memory_space<vmem_shared>>)
    %barrier3A_37 = arith.constant 0 : index
    tpu.barrier barrier_id(%barrier3A_37)
    %mul3A_38 = arith.constant 64 : i32
    %mul3A_39 = arith.muli %arg1, %mul3A_38 : i32
    %mul3A_40 = arith.constant 64 : i32
    %mul3A_41 = arith.muli %arg1, %mul3A_40 : i32
    "tpu.region"() ({
      %run_scoped3A = tpu.sem_alloc : memref<!tpu.dma_semaphore, #tpu.memory_space<semaphore_mem>>
      %dma_start3A_46 = arith.constant 0 : i32
      %dma_start3A_47 = tpu.memref_slice %arg4[%arg0, %mul3A_41, %dma_start3A_46] : memref<2x1024x128xf32, #tpu.memory_space<hbm>> -> memref<1x64x128xf32, #tpu.memory_space<hbm>>
      %dma_start3A_48 = tpu.memref_squeeze %dma_start3A_47 : memref<1x64x128xf32, #tpu.memory_space<hbm>> -> memref<64x128xf32, #tpu.memory_space<hbm>>
      %dma_start3A_49 = arith.constant 0 : i32
      %dma_start3A_50 = tpu.memref_slice %arg11[%mul3A_39, %dma_start3A_49] : memref<1024x128xf32, #tpu.memory_space<vmem_shared>> -> memref<64x128xf32, #tpu.memory_space<vmem_shared>>
      tpu.enqueue_dma source(%dma_start3A_50 : memref<64x128xf32, #tpu.memory_space<vmem_shared>>) target(%dma_start3A_48 : memref<64x128xf32, #tpu.memory_space<hbm>>) target_semaphore(%run_scoped3A : memref<!tpu.dma_semaphore, #tpu.memory_space<semaphore_mem>>)
      %dma_wait3A_51 = arith.constant 0 : i32
      %dma_wait3A_52 = tpu.memref_slice %arg4[%arg0, %mul3A_41, %dma_wait3A_51] : memref<2x1024x128xf32, #tpu.memory_space<hbm>> -> memref<1x64x128xf32, #tpu.memory_space<hbm>>
      %dma_wait3A_53 = tpu.memref_squeeze %dma_wait3A_52 : memref<1x64x128xf32, #tpu.memory_space<hbm>> -> memref<64x128xf32, #tpu.memory_space<hbm>>
      %dma_wait3A_54 = arith.constant 0 : i32
      %dma_wait3A_55 = tpu.memref_slice %arg11[%mul3A_39, %dma_wait3A_54] : memref<1024x128xf32, #tpu.memory_space<vmem_shared>> -> memref<64x128xf32, #tpu.memory_space<vmem_shared>>
      tpu.wait_dma2 semaphore(%run_scoped3A : memref<!tpu.dma_semaphore, #tpu.memory_space<semaphore_mem>>) src(%dma_wait3A_55 : memref<64x128xf32, #tpu.memory_space<vmem_shared>>) dst(%dma_wait3A_53 : memref<64x128xf32, #tpu.memory_space<hbm>>)
      tpu.yield
    }) : () -> ()
    %mul3A_42 = arith.constant 64 : i32
    %mul3A_43 = arith.muli %arg1, %mul3A_42 : i32
    %mul3A_44 = arith.constant 64 : i32
    %mul3A_45 = arith.muli %arg1, %mul3A_44 : i32
    "tpu.region"() ({
      %run_scoped3A = tpu.sem_alloc : memref<!tpu.dma_semaphore, #tpu.memory_space<semaphore_mem>>
      %dma_start3A_46 = arith.constant 0 : i32
      %dma_start3A_47 = tpu.memref_slice %arg5[%arg0, %mul3A_45, %dma_start3A_46] : memref<2x1024x32xf32, #tpu.memory_space<hbm>> -> memref<1x64x32xf32, #tpu.memory_space<hbm>>
      %dma_start3A_48 = tpu.memref_squeeze %dma_start3A_47 : memref<1x64x32xf32, #tpu.memory_space<hbm>> -> memref<64x32xf32, #tpu.memory_space<hbm>>
      %dma_start3A_49 = arith.constant 0 : i32
      %dma_start3A_50 = tpu.memref_slice %arg12[%mul3A_43, %dma_start3A_49] : memref<1024x32xf32, #tpu.memory_space<vmem_shared>> -> memref<64x32xf32, #tpu.memory_space<vmem_shared>>
      tpu.enqueue_dma source(%dma_start3A_50 : memref<64x32xf32, #tpu.memory_space<vmem_shared>>) target(%dma_start3A_48 : memref<64x32xf32, #tpu.memory_space<hbm>>) target_semaphore(%run_scoped3A : memref<!tpu.dma_semaphore, #tpu.memory_space<semaphore_mem>>)
      %dma_wait3A_51 = arith.constant 0 : i32
      %dma_wait3A_52 = tpu.memref_slice %arg5[%arg0, %mul3A_45, %dma_wait3A_51] : memref<2x1024x32xf32, #tpu.memory_space<hbm>> -> memref<1x64x32xf32, #tpu.memory_space<hbm>>
      %dma_wait3A_53 = tpu.memref_squeeze %dma_wait3A_52 : memref<1x64x32xf32, #tpu.memory_space<hbm>> -> memref<64x32xf32, #tpu.memory_space<hbm>>
      %dma_wait3A_54 = arith.constant 0 : i32
      %dma_wait3A_55 = tpu.memref_slice %arg12[%mul3A_43, %dma_wait3A_54] : memref<1024x32xf32, #tpu.memory_space<vmem_shared>> -> memref<64x32xf32, #tpu.memory_space<vmem_shared>>
      tpu.wait_dma2 semaphore(%run_scoped3A : memref<!tpu.dma_semaphore, #tpu.memory_space<semaphore_mem>>) src(%dma_wait3A_55 : memref<64x32xf32, #tpu.memory_space<vmem_shared>>) dst(%dma_wait3A_53 : memref<64x32xf32, #tpu.memory_space<hbm>>)
      tpu.yield
    }) : () -> ()
    return
  }
}

#map = affine_map<(d0, d1) -> (0, 0, 0)>
#map1 = affine_map<(d0, d1) -> (0)>
module attributes {stable_mosaic.version = 14 : i64} {
  func.func @_loss_kernel(%arg0: i32, %arg1: i32, %arg2: memref<2x1024x128xf32, #tpu.memory_space<hbm>>, %arg3: memref<2x1024x32xf32, #tpu.memory_space<hbm>>, %arg4: memref<16xf32, #tpu.memory_space<hbm>>, %arg5: memref<64x128xf32, #tpu.memory_space<vmem>>, %arg6: memref<64x128xf32, #tpu.memory_space<vmem>>, %arg7: memref<64x32xf32, #tpu.memory_space<vmem>>, %arg8: memref<64x32xf32, #tpu.memory_space<vmem>>, %arg9: memref<128xf32, #tpu.memory_space<vmem>>, %arg10: memref<16x128xf32, #tpu.memory_space<vmem>>, %arg11: memref<16xf32, #tpu.memory_space<vmem>>, %arg12: memref<16x128xf32, #tpu.memory_space<vmem_shared>>) attributes {dimension_semantics = [#tpu.dimension_semantics<core_parallel>, #tpu.dimension_semantics<subcore_parallel>], iteration_bounds = array<i64: 2, 16>, scalar_prefetch = 0 : i64, scratch_operands = 8 : i64, tpu.core_type = #tpu.core_type<sc_vector_subcore>, window_params = [{transform_indices = #map}, {transform_indices = #map}, {transform_indices = #map1}]} {
    %eq3A = arith.constant 0 : i32
    %eq3A_0 = arith.cmpi eq, %arg0, %eq3A : i32
    %convert_element_type3A = arith.extui %eq3A_0 : i1 to i32
    %cond3A = arith.constant 0 : i32
    %cond3A_1 = arith.cmpi ne, %convert_element_type3A, %cond3A : i32
    scf.if %cond3A_1 {
      %iota3A = tpu.iota {dimensions = array<i32: 0>} : vector<16xi32>
      %broadcast_in_dim3A = arith.constant 0.000000e+00 : f32
      %broadcast_in_dim3A_2 = vector.broadcast %broadcast_in_dim3A : f32 to vector<16xf32>
      %mul3A = arith.constant 64 : i32
      %mul3A_3 = arith.muli %arg1, %mul3A : i32
      %run_scoped3A = arith.constant 0 : i32
      "tpu.region"() ({
        %run_scoped3A_54 = tpu.sem_alloc : memref<!tpu.dma_semaphore, #tpu.memory_space<semaphore_mem>>
        %dma_start3A = arith.constant 0 : i32
        %dma_start3A_55 = tpu.memref_slice %arg2[%run_scoped3A, %mul3A_3, %dma_start3A] : memref<2x1024x128xf32, #tpu.memory_space<hbm>> -> memref<1x64x128xf32, #tpu.memory_space<hbm>>
        %dma_start3A_56 = tpu.memref_squeeze %dma_start3A_55 : memref<1x64x128xf32, #tpu.memory_space<hbm>> -> memref<64x128xf32, #tpu.memory_space<hbm>>
        %dma_start3A_57 = arith.constant 0 : i32
        %dma_start3A_58 = tpu.memref_slice %arg2[%run_scoped3A, %mul3A_3, %dma_start3A_57] : memref<2x1024x128xf32, #tpu.memory_space<hbm>> -> memref<1x64x128xf32, #tpu.memory_space<hbm>>
        %dma_start3A_59 = tpu.memref_squeeze %dma_start3A_58 : memref<1x64x128xf32, #tpu.memory_space<hbm>> -> memref<64x128xf32, #tpu.memory_space<hbm>>
        tpu.enqueue_dma source(%dma_start3A_59 : memref<64x128xf32, #tpu.memory_space<hbm>>) target(%arg5 : memref<64x128xf32, #tpu.memory_space<vmem>>) target_semaphore(%run_scoped3A_54 : memref<!tpu.dma_semaphore, #tpu.memory_space<semaphore_mem>>)
        %dma_wait3A = arith.constant 0 : i32
        %dma_wait3A_60 = tpu.memref_slice %arg2[%run_scoped3A, %mul3A_3, %dma_wait3A] : memref<2x1024x128xf32, #tpu.memory_space<hbm>> -> memref<1x64x128xf32, #tpu.memory_space<hbm>>
        %dma_wait3A_61 = tpu.memref_squeeze %dma_wait3A_60 : memref<1x64x128xf32, #tpu.memory_space<hbm>> -> memref<64x128xf32, #tpu.memory_space<hbm>>
        %dma_wait3A_62 = arith.constant 0 : i32
        %dma_wait3A_63 = tpu.memref_slice %arg2[%run_scoped3A, %mul3A_3, %dma_wait3A_62] : memref<2x1024x128xf32, #tpu.memory_space<hbm>> -> memref<1x64x128xf32, #tpu.memory_space<hbm>>
        %dma_wait3A_64 = tpu.memref_squeeze %dma_wait3A_63 : memref<1x64x128xf32, #tpu.memory_space<hbm>> -> memref<64x128xf32, #tpu.memory_space<hbm>>
        tpu.wait_dma2 semaphore(%run_scoped3A_54 : memref<!tpu.dma_semaphore, #tpu.memory_space<semaphore_mem>>) src(%dma_wait3A_64 : memref<64x128xf32, #tpu.memory_space<hbm>>) dst(%arg5 : memref<64x128xf32, #tpu.memory_space<vmem>>)
        tpu.yield
      }) : () -> ()
      %run_scoped3A_4 = arith.constant 1 : i32
      "tpu.region"() ({
        %run_scoped3A_54 = tpu.sem_alloc : memref<!tpu.dma_semaphore, #tpu.memory_space<semaphore_mem>>
        %dma_start3A = arith.constant 0 : i32
        %dma_start3A_55 = tpu.memref_slice %arg2[%run_scoped3A_4, %mul3A_3, %dma_start3A] : memref<2x1024x128xf32, #tpu.memory_space<hbm>> -> memref<1x64x128xf32, #tpu.memory_space<hbm>>
        %dma_start3A_56 = tpu.memref_squeeze %dma_start3A_55 : memref<1x64x128xf32, #tpu.memory_space<hbm>> -> memref<64x128xf32, #tpu.memory_space<hbm>>
        %dma_start3A_57 = arith.constant 0 : i32
        %dma_start3A_58 = tpu.memref_slice %arg2[%run_scoped3A_4, %mul3A_3, %dma_start3A_57] : memref<2x1024x128xf32, #tpu.memory_space<hbm>> -> memref<1x64x128xf32, #tpu.memory_space<hbm>>
        %dma_start3A_59 = tpu.memref_squeeze %dma_start3A_58 : memref<1x64x128xf32, #tpu.memory_space<hbm>> -> memref<64x128xf32, #tpu.memory_space<hbm>>
        tpu.enqueue_dma source(%dma_start3A_59 : memref<64x128xf32, #tpu.memory_space<hbm>>) target(%arg6 : memref<64x128xf32, #tpu.memory_space<vmem>>) target_semaphore(%run_scoped3A_54 : memref<!tpu.dma_semaphore, #tpu.memory_space<semaphore_mem>>)
        %dma_wait3A = arith.constant 0 : i32
        %dma_wait3A_60 = tpu.memref_slice %arg2[%run_scoped3A_4, %mul3A_3, %dma_wait3A] : memref<2x1024x128xf32, #tpu.memory_space<hbm>> -> memref<1x64x128xf32, #tpu.memory_space<hbm>>
        %dma_wait3A_61 = tpu.memref_squeeze %dma_wait3A_60 : memref<1x64x128xf32, #tpu.memory_space<hbm>> -> memref<64x128xf32, #tpu.memory_space<hbm>>
        %dma_wait3A_62 = arith.constant 0 : i32
        %dma_wait3A_63 = tpu.memref_slice %arg2[%run_scoped3A_4, %mul3A_3, %dma_wait3A_62] : memref<2x1024x128xf32, #tpu.memory_space<hbm>> -> memref<1x64x128xf32, #tpu.memory_space<hbm>>
        %dma_wait3A_64 = tpu.memref_squeeze %dma_wait3A_63 : memref<1x64x128xf32, #tpu.memory_space<hbm>> -> memref<64x128xf32, #tpu.memory_space<hbm>>
        tpu.wait_dma2 semaphore(%run_scoped3A_54 : memref<!tpu.dma_semaphore, #tpu.memory_space<semaphore_mem>>) src(%dma_wait3A_64 : memref<64x128xf32, #tpu.memory_space<hbm>>) dst(%arg6 : memref<64x128xf32, #tpu.memory_space<vmem>>)
        tpu.yield
      }) : () -> ()
      %run_scoped3A_5 = arith.constant 0 : i32
      "tpu.region"() ({
        %run_scoped3A_54 = tpu.sem_alloc : memref<!tpu.dma_semaphore, #tpu.memory_space<semaphore_mem>>
        %dma_start3A = arith.constant 0 : i32
        %dma_start3A_55 = tpu.memref_slice %arg3[%run_scoped3A_5, %mul3A_3, %dma_start3A] : memref<2x1024x32xf32, #tpu.memory_space<hbm>> -> memref<1x64x32xf32, #tpu.memory_space<hbm>>
        %dma_start3A_56 = tpu.memref_squeeze %dma_start3A_55 : memref<1x64x32xf32, #tpu.memory_space<hbm>> -> memref<64x32xf32, #tpu.memory_space<hbm>>
        %dma_start3A_57 = arith.constant 0 : i32
        %dma_start3A_58 = tpu.memref_slice %arg3[%run_scoped3A_5, %mul3A_3, %dma_start3A_57] : memref<2x1024x32xf32, #tpu.memory_space<hbm>> -> memref<1x64x32xf32, #tpu.memory_space<hbm>>
        %dma_start3A_59 = tpu.memref_squeeze %dma_start3A_58 : memref<1x64x32xf32, #tpu.memory_space<hbm>> -> memref<64x32xf32, #tpu.memory_space<hbm>>
        tpu.enqueue_dma source(%dma_start3A_59 : memref<64x32xf32, #tpu.memory_space<hbm>>) target(%arg7 : memref<64x32xf32, #tpu.memory_space<vmem>>) target_semaphore(%run_scoped3A_54 : memref<!tpu.dma_semaphore, #tpu.memory_space<semaphore_mem>>)
        %dma_wait3A = arith.constant 0 : i32
        %dma_wait3A_60 = tpu.memref_slice %arg3[%run_scoped3A_5, %mul3A_3, %dma_wait3A] : memref<2x1024x32xf32, #tpu.memory_space<hbm>> -> memref<1x64x32xf32, #tpu.memory_space<hbm>>
        %dma_wait3A_61 = tpu.memref_squeeze %dma_wait3A_60 : memref<1x64x32xf32, #tpu.memory_space<hbm>> -> memref<64x32xf32, #tpu.memory_space<hbm>>
        %dma_wait3A_62 = arith.constant 0 : i32
        %dma_wait3A_63 = tpu.memref_slice %arg3[%run_scoped3A_5, %mul3A_3, %dma_wait3A_62] : memref<2x1024x32xf32, #tpu.memory_space<hbm>> -> memref<1x64x32xf32, #tpu.memory_space<hbm>>
        %dma_wait3A_64 = tpu.memref_squeeze %dma_wait3A_63 : memref<1x64x32xf32, #tpu.memory_space<hbm>> -> memref<64x32xf32, #tpu.memory_space<hbm>>
        tpu.wait_dma2 semaphore(%run_scoped3A_54 : memref<!tpu.dma_semaphore, #tpu.memory_space<semaphore_mem>>) src(%dma_wait3A_64 : memref<64x32xf32, #tpu.memory_space<hbm>>) dst(%arg7 : memref<64x32xf32, #tpu.memory_space<vmem>>)
        tpu.yield
      }) : () -> ()
      %run_scoped3A_6 = arith.constant 1 : i32
      "tpu.region"() ({
        %run_scoped3A_54 = tpu.sem_alloc : memref<!tpu.dma_semaphore, #tpu.memory_space<semaphore_mem>>
        %dma_start3A = arith.constant 0 : i32
        %dma_start3A_55 = tpu.memref_slice %arg3[%run_scoped3A_6, %mul3A_3, %dma_start3A] : memref<2x1024x32xf32, #tpu.memory_space<hbm>> -> memref<1x64x32xf32, #tpu.memory_space<hbm>>
        %dma_start3A_56 = tpu.memref_squeeze %dma_start3A_55 : memref<1x64x32xf32, #tpu.memory_space<hbm>> -> memref<64x32xf32, #tpu.memory_space<hbm>>
        %dma_start3A_57 = arith.constant 0 : i32
        %dma_start3A_58 = tpu.memref_slice %arg3[%run_scoped3A_6, %mul3A_3, %dma_start3A_57] : memref<2x1024x32xf32, #tpu.memory_space<hbm>> -> memref<1x64x32xf32, #tpu.memory_space<hbm>>
        %dma_start3A_59 = tpu.memref_squeeze %dma_start3A_58 : memref<1x64x32xf32, #tpu.memory_space<hbm>> -> memref<64x32xf32, #tpu.memory_space<hbm>>
        tpu.enqueue_dma source(%dma_start3A_59 : memref<64x32xf32, #tpu.memory_space<hbm>>) target(%arg8 : memref<64x32xf32, #tpu.memory_space<vmem>>) target_semaphore(%run_scoped3A_54 : memref<!tpu.dma_semaphore, #tpu.memory_space<semaphore_mem>>)
        %dma_wait3A = arith.constant 0 : i32
        %dma_wait3A_60 = tpu.memref_slice %arg3[%run_scoped3A_6, %mul3A_3, %dma_wait3A] : memref<2x1024x32xf32, #tpu.memory_space<hbm>> -> memref<1x64x32xf32, #tpu.memory_space<hbm>>
        %dma_wait3A_61 = tpu.memref_squeeze %dma_wait3A_60 : memref<1x64x32xf32, #tpu.memory_space<hbm>> -> memref<64x32xf32, #tpu.memory_space<hbm>>
        %dma_wait3A_62 = arith.constant 0 : i32
        %dma_wait3A_63 = tpu.memref_slice %arg3[%run_scoped3A_6, %mul3A_3, %dma_wait3A_62] : memref<2x1024x32xf32, #tpu.memory_space<hbm>> -> memref<1x64x32xf32, #tpu.memory_space<hbm>>
        %dma_wait3A_64 = tpu.memref_squeeze %dma_wait3A_63 : memref<1x64x32xf32, #tpu.memory_space<hbm>> -> memref<64x32xf32, #tpu.memory_space<hbm>>
        tpu.wait_dma2 semaphore(%run_scoped3A_54 : memref<!tpu.dma_semaphore, #tpu.memory_space<semaphore_mem>>) src(%dma_wait3A_64 : memref<64x32xf32, #tpu.memory_space<hbm>>) dst(%arg8 : memref<64x32xf32, #tpu.memory_space<vmem>>)
        tpu.yield
      }) : () -> ()
      %scan3A = arith.constant 0.000000e+00 : f32
      %scan3A_7 = arith.constant 0 : i32
      %scan3A_8 = arith.constant 64 : i32
      %scan3A_9 = arith.addi %scan3A_7, %scan3A_8 : i32
      %scan3A_10 = arith.constant 1 : i32
      %scan3A_11:2 = scf.for %scan3A_54 = %scan3A_7 to %scan3A_9 step %scan3A_10 iter_args(%scan3A_55 = %broadcast_in_dim3A_2, %scan3A_56 = %scan3A) -> (vector<16xf32>, f32)  : i32 {
        %get3A = arith.index_cast %scan3A_54 : i32 to index
        %get3A_57 = arith.constant 0 : index
        %get3A_58 = tpu.vector_load %arg5[%get3A, %get3A_57] {strides = array<i32>} : memref<64x128xf32, #tpu.memory_space<vmem>>, vector<1x16xf32>,
        %get3A_59 = vector.shape_cast %get3A_58 : vector<1x16xf32> to vector<16xf32>
        %get3A_60 = arith.index_cast %scan3A_54 : i32 to index
        %get3A_61 = arith.constant 0 : index
        %get3A_62 = tpu.vector_load %arg6[%get3A_60, %get3A_61] {strides = array<i32>} : memref<64x128xf32, #tpu.memory_space<vmem>>, vector<1x16xf32>,
        %get3A_63 = vector.shape_cast %get3A_62 : vector<1x16xf32> to vector<16xf32>
        %add3A = arith.addf %get3A_59, %get3A_63 : vector<16xf32>
        %mul3A_64 = arith.mulf %add3A, %add3A : vector<16xf32>
        %add3A_65 = arith.addf %broadcast_in_dim3A_2, %mul3A_64 : vector<16xf32>
        %get3A_66 = arith.index_cast %scan3A_54 : i32 to index
        %get3A_67 = arith.constant 16 : index
        %get3A_68 = tpu.vector_load %arg5[%get3A_66, %get3A_67] {strides = array<i32>} : memref<64x128xf32, #tpu.memory_space<vmem>>, vector<1x16xf32>,
        %get3A_69 = vector.shape_cast %get3A_68 : vector<1x16xf32> to vector<16xf32>
        %get3A_70 = arith.index_cast %scan3A_54 : i32 to index
        %get3A_71 = arith.constant 16 : index
        %get3A_72 = tpu.vector_load %arg6[%get3A_70, %get3A_71] {strides = array<i32>} : memref<64x128xf32, #tpu.memory_space<vmem>>, vector<1x16xf32>,
        %get3A_73 = vector.shape_cast %get3A_72 : vector<1x16xf32> to vector<16xf32>
        %add3A_74 = arith.addf %get3A_69, %get3A_73 : vector<16xf32>
        %mul3A_75 = arith.mulf %add3A_74, %add3A_74 : vector<16xf32>
        %add3A_76 = arith.addf %add3A_65, %mul3A_75 : vector<16xf32>
        %get3A_77 = arith.index_cast %scan3A_54 : i32 to index
        %get3A_78 = arith.constant 32 : index
        %get3A_79 = tpu.vector_load %arg5[%get3A_77, %get3A_78] {strides = array<i32>} : memref<64x128xf32, #tpu.memory_space<vmem>>, vector<1x16xf32>,
        %get3A_80 = vector.shape_cast %get3A_79 : vector<1x16xf32> to vector<16xf32>
        %get3A_81 = arith.index_cast %scan3A_54 : i32 to index
        %get3A_82 = arith.constant 32 : index
        %get3A_83 = tpu.vector_load %arg6[%get3A_81, %get3A_82] {strides = array<i32>} : memref<64x128xf32, #tpu.memory_space<vmem>>, vector<1x16xf32>,
        %get3A_84 = vector.shape_cast %get3A_83 : vector<1x16xf32> to vector<16xf32>
        %add3A_85 = arith.addf %get3A_80, %get3A_84 : vector<16xf32>
        %mul3A_86 = arith.mulf %add3A_85, %add3A_85 : vector<16xf32>
        %add3A_87 = arith.addf %add3A_76, %mul3A_86 : vector<16xf32>
        %get3A_88 = arith.index_cast %scan3A_54 : i32 to index
        %get3A_89 = arith.constant 48 : index
        %get3A_90 = tpu.vector_load %arg5[%get3A_88, %get3A_89] {strides = array<i32>} : memref<64x128xf32, #tpu.memory_space<vmem>>, vector<1x16xf32>,
        %get3A_91 = vector.shape_cast %get3A_90 : vector<1x16xf32> to vector<16xf32>
        %get3A_92 = arith.index_cast %scan3A_54 : i32 to index
        %get3A_93 = arith.constant 48 : index
        %get3A_94 = tpu.vector_load %arg6[%get3A_92, %get3A_93] {strides = array<i32>} : memref<64x128xf32, #tpu.memory_space<vmem>>, vector<1x16xf32>,
        %get3A_95 = vector.shape_cast %get3A_94 : vector<1x16xf32> to vector<16xf32>
        %add3A_96 = arith.addf %get3A_91, %get3A_95 : vector<16xf32>
        %mul3A_97 = arith.mulf %add3A_96, %add3A_96 : vector<16xf32>
        %add3A_98 = arith.addf %add3A_87, %mul3A_97 : vector<16xf32>
        %get3A_99 = arith.index_cast %scan3A_54 : i32 to index
        %get3A_100 = arith.constant 64 : index
        %get3A_101 = tpu.vector_load %arg5[%get3A_99, %get3A_100] {strides = array<i32>} : memref<64x128xf32, #tpu.memory_space<vmem>>, vector<1x16xf32>,
        %get3A_102 = vector.shape_cast %get3A_101 : vector<1x16xf32> to vector<16xf32>
        %get3A_103 = arith.index_cast %scan3A_54 : i32 to index
        %get3A_104 = arith.constant 64 : index
        %get3A_105 = tpu.vector_load %arg6[%get3A_103, %get3A_104] {strides = array<i32>} : memref<64x128xf32, #tpu.memory_space<vmem>>, vector<1x16xf32>,
        %get3A_106 = vector.shape_cast %get3A_105 : vector<1x16xf32> to vector<16xf32>
        %add3A_107 = arith.addf %get3A_102, %get3A_106 : vector<16xf32>
        %mul3A_108 = arith.mulf %add3A_107, %add3A_107 : vector<16xf32>
        %add3A_109 = arith.addf %add3A_98, %mul3A_108 : vector<16xf32>
        %get3A_110 = arith.index_cast %scan3A_54 : i32 to index
        %get3A_111 = arith.constant 80 : index
        %get3A_112 = tpu.vector_load %arg5[%get3A_110, %get3A_111] {strides = array<i32>} : memref<64x128xf32, #tpu.memory_space<vmem>>, vector<1x16xf32>,
        %get3A_113 = vector.shape_cast %get3A_112 : vector<1x16xf32> to vector<16xf32>
        %get3A_114 = arith.index_cast %scan3A_54 : i32 to index
        %get3A_115 = arith.constant 80 : index
        %get3A_116 = tpu.vector_load %arg6[%get3A_114, %get3A_115] {strides = array<i32>} : memref<64x128xf32, #tpu.memory_space<vmem>>, vector<1x16xf32>,
        %get3A_117 = vector.shape_cast %get3A_116 : vector<1x16xf32> to vector<16xf32>
        %add3A_118 = arith.addf %get3A_113, %get3A_117 : vector<16xf32>
        %mul3A_119 = arith.mulf %add3A_118, %add3A_118 : vector<16xf32>
        %add3A_120 = arith.addf %add3A_109, %mul3A_119 : vector<16xf32>
        %get3A_121 = arith.index_cast %scan3A_54 : i32 to index
        %get3A_122 = arith.constant 96 : index
        %get3A_123 = tpu.vector_load %arg5[%get3A_121, %get3A_122] {strides = array<i32>} : memref<64x128xf32, #tpu.memory_space<vmem>>, vector<1x16xf32>,
        %get3A_124 = vector.shape_cast %get3A_123 : vector<1x16xf32> to vector<16xf32>
        %get3A_125 = arith.index_cast %scan3A_54 : i32 to index
        %get3A_126 = arith.constant 96 : index
        %get3A_127 = tpu.vector_load %arg6[%get3A_125, %get3A_126] {strides = array<i32>} : memref<64x128xf32, #tpu.memory_space<vmem>>, vector<1x16xf32>,
        %get3A_128 = vector.shape_cast %get3A_127 : vector<1x16xf32> to vector<16xf32>
        %add3A_129 = arith.addf %get3A_124, %get3A_128 : vector<16xf32>
        %mul3A_130 = arith.mulf %add3A_129, %add3A_129 : vector<16xf32>
        %add3A_131 = arith.addf %add3A_120, %mul3A_130 : vector<16xf32>
        %get3A_132 = arith.index_cast %scan3A_54 : i32 to index
        %get3A_133 = arith.constant 112 : index
        %get3A_134 = tpu.vector_load %arg5[%get3A_132, %get3A_133] {strides = array<i32>} : memref<64x128xf32, #tpu.memory_space<vmem>>, vector<1x16xf32>,
        %get3A_135 = vector.shape_cast %get3A_134 : vector<1x16xf32> to vector<16xf32>
        %get3A_136 = arith.index_cast %scan3A_54 : i32 to index
        %get3A_137 = arith.constant 112 : index
        %get3A_138 = tpu.vector_load %arg6[%get3A_136, %get3A_137] {strides = array<i32>} : memref<64x128xf32, #tpu.memory_space<vmem>>, vector<1x16xf32>,
        %get3A_139 = vector.shape_cast %get3A_138 : vector<1x16xf32> to vector<16xf32>
        %add3A_140 = arith.addf %get3A_135, %get3A_139 : vector<16xf32>
        %mul3A_141 = arith.mulf %add3A_140, %add3A_140 : vector<16xf32>
        %add3A_142 = arith.addf %add3A_131, %mul3A_141 : vector<16xf32>
        %get3A_143 = arith.index_cast %scan3A_54 : i32 to index
        %get3A_144 = arith.constant 0 : index
        %get3A_145 = tpu.vector_load %arg7[%get3A_143, %get3A_144] {strides = array<i32>} : memref<64x32xf32, #tpu.memory_space<vmem>>, vector<1x16xf32>,
        %get3A_146 = vector.shape_cast %get3A_145 : vector<1x16xf32> to vector<16xf32>
        %get3A_147 = arith.index_cast %scan3A_54 : i32 to index
        %get3A_148 = arith.constant 0 : index
        %get3A_149 = tpu.vector_load %arg8[%get3A_147, %get3A_148] {strides = array<i32>} : memref<64x32xf32, #tpu.memory_space<vmem>>, vector<1x16xf32>,
        %get3A_150 = vector.shape_cast %get3A_149 : vector<1x16xf32> to vector<16xf32>
        %add3A_151 = arith.addf %get3A_146, %get3A_150 : vector<16xf32>
        %get3A_152 = arith.index_cast %scan3A_54 : i32 to index
        %get3A_153 = arith.constant 16 : index
        %get3A_154 = tpu.vector_load %arg7[%get3A_152, %get3A_153] {strides = array<i32>} : memref<64x32xf32, #tpu.memory_space<vmem>>, vector<1x16xf32>,
        %get3A_155 = vector.shape_cast %get3A_154 : vector<1x16xf32> to vector<16xf32>
        %get3A_156 = arith.index_cast %scan3A_54 : i32 to index
        %get3A_157 = arith.constant 16 : index
        %get3A_158 = tpu.vector_load %arg8[%get3A_156, %get3A_157] {strides = array<i32>} : memref<64x32xf32, #tpu.memory_space<vmem>>, vector<1x16xf32>,
        %get3A_159 = vector.shape_cast %get3A_158 : vector<1x16xf32> to vector<16xf32>
        %add3A_160 = arith.addf %get3A_155, %get3A_159 : vector<16xf32>
        %slice3A = vector.extract_strided_slice %add3A_160 {offsets = [0], sizes = [1], strides = [1]} : vector<16xf32> to vector<1xf32>
        %squeeze3A = vector.extract %slice3A[0] : f32 from vector<1xf32>
        %add3A_161 = arith.addi %mul3A_3, %scan3A_54 : i32
        %gt3A = arith.constant 0.000000e+00 : f32
        %gt3A_162 = arith.cmpf ogt, %squeeze3A, %gt3A : f32
        %ne3A = arith.constant 0 : i32
        %ne3A_163 = arith.cmpi ne, %add3A_161, %ne3A : i32
        %and3A = arith.andi %gt3A_162, %ne3A_163 : i1
        %jit3A_164 = arith.constant 1.000000e+00 : f32
        %select_n3A_165 = arith.select %gt3A_162, %squeeze3A, %jit3A_164 : f32
        %div3A = vector.broadcast %select_n3A_165 : f32 to vector<16xf32>
        %div3A_166 = arith.divf %add3A_142, %div3A : vector<16xf32>
        %sub3A = arith.subf %add3A_151, %div3A_166 : vector<16xf32>
        %mul3A_167 = arith.constant 1.280000e+02 : f32
        %mul3A_168 = arith.mulf %select_n3A_165, %mul3A_167 : f32
        %div3A_169 = vector.broadcast %mul3A_168 : f32 to vector<16xf32>
        %div3A_170 = arith.divf %sub3A, %div3A_169 : vector<16xf32>
        %select_n3A_171 = arith.select %and3A, %div3A_170, %broadcast_in_dim3A_2 : vector<16xf32>
        %jit3A_172 = arith.constant 1.000000e+00 : f32
        %jit3A_173 = arith.constant 0.000000e+00 : f32
        %select_n3A_174 = arith.select %gt3A_162, %jit3A_172, %jit3A_173 : f32
        %add3A_175 = arith.addf %scan3A_56, %select_n3A_174 : f32
        %add3A_176 = arith.addf %scan3A_55, %select_n3A_171 : vector<16xf32>
        scf.yield %add3A_176, %add3A_175 : vector<16xf32>, f32
      }
      %scan3A_12 = arith.constant 64 : i32
      %swap3A = arith.constant 0 : index
      %swap3A_13 = tpu.vector_load %arg9[%swap3A] {strides = array<i32>} : memref<128xf32, #tpu.memory_space<vmem>>, vector<16xf32>,
      %swap3A_14 = vector.shape_cast %swap3A_13 : vector<16xf32> to vector<16xf32>
      %swap3A_15 = vector.shape_cast %scan3A_11#0 : vector<16xf32> to vector<16xf32>
      tpu.vector_store %arg9[%swap3A], %swap3A_15 {strides = array<i32>} : memref<128xf32, #tpu.memory_space<vmem>>, vector<16xf32>,
      %eq3A_16 = arith.constant 0 : i32
      %eq3A_17 = vector.broadcast %eq3A_16 : i32 to vector<16xi32>
      %eq3A_18 = arith.cmpi eq, %iota3A, %eq3A_17 : vector<16xi32>
      %jit3A = arith.constant 0.000000e+00 : f32
      %broadcast_in_dim3A_19 = vector.broadcast %scan3A_11#1 : f32 to vector<16xf32>
      %broadcast_in_dim3A_20 = vector.broadcast %jit3A : f32 to vector<16xf32>
      %select_n3A = arith.select %eq3A_18, %broadcast_in_dim3A_19, %broadcast_in_dim3A_20 : vector<16xi1>, vector<16xf32>
      %swap3A_21 = arith.constant 16 : index
      %swap3A_22 = tpu.vector_load %arg9[%swap3A_21] {strides = array<i32>} : memref<128xf32, #tpu.memory_space<vmem>>, vector<16xf32>,
      %swap3A_23 = vector.shape_cast %swap3A_22 : vector<16xf32> to vector<16xf32>
      %swap3A_24 = vector.shape_cast %select_n3A : vector<16xf32> to vector<16xf32>
      tpu.vector_store %arg9[%swap3A_21], %swap3A_24 {strides = array<i32>} : memref<128xf32, #tpu.memory_space<vmem>>, vector<16xf32>,
      %swap3A_25 = arith.constant 32 : index
      %swap3A_26 = tpu.vector_load %arg9[%swap3A_25] {strides = array<i32>} : memref<128xf32, #tpu.memory_space<vmem>>, vector<16xf32>,
      %swap3A_27 = vector.shape_cast %swap3A_26 : vector<16xf32> to vector<16xf32>
      %swap3A_28 = vector.shape_cast %broadcast_in_dim3A_2 : vector<16xf32> to vector<16xf32>
      tpu.vector_store %arg9[%swap3A_25], %swap3A_28 {strides = array<i32>} : memref<128xf32, #tpu.memory_space<vmem>>, vector<16xf32>,
      %swap3A_29 = arith.constant 48 : index
      %swap3A_30 = tpu.vector_load %arg9[%swap3A_29] {strides = array<i32>} : memref<128xf32, #tpu.memory_space<vmem>>, vector<16xf32>,
      %swap3A_31 = vector.shape_cast %swap3A_30 : vector<16xf32> to vector<16xf32>
      %swap3A_32 = vector.shape_cast %broadcast_in_dim3A_2 : vector<16xf32> to vector<16xf32>
      tpu.vector_store %arg9[%swap3A_29], %swap3A_32 {strides = array<i32>} : memref<128xf32, #tpu.memory_space<vmem>>, vector<16xf32>,
      %swap3A_33 = arith.constant 64 : index
      %swap3A_34 = tpu.vector_load %arg9[%swap3A_33] {strides = array<i32>} : memref<128xf32, #tpu.memory_space<vmem>>, vector<16xf32>,
      %swap3A_35 = vector.shape_cast %swap3A_34 : vector<16xf32> to vector<16xf32>
      %swap3A_36 = vector.shape_cast %broadcast_in_dim3A_2 : vector<16xf32> to vector<16xf32>
      tpu.vector_store %arg9[%swap3A_33], %swap3A_36 {strides = array<i32>} : memref<128xf32, #tpu.memory_space<vmem>>, vector<16xf32>,
      %swap3A_37 = arith.constant 80 : index
      %swap3A_38 = tpu.vector_load %arg9[%swap3A_37] {strides = array<i32>} : memref<128xf32, #tpu.memory_space<vmem>>, vector<16xf32>,
      %swap3A_39 = vector.shape_cast %swap3A_38 : vector<16xf32> to vector<16xf32>
      %swap3A_40 = vector.shape_cast %broadcast_in_dim3A_2 : vector<16xf32> to vector<16xf32>
      tpu.vector_store %arg9[%swap3A_37], %swap3A_40 {strides = array<i32>} : memref<128xf32, #tpu.memory_space<vmem>>, vector<16xf32>,
      %swap3A_41 = arith.constant 96 : index
      %swap3A_42 = tpu.vector_load %arg9[%swap3A_41] {strides = array<i32>} : memref<128xf32, #tpu.memory_space<vmem>>, vector<16xf32>,
      %swap3A_43 = vector.shape_cast %swap3A_42 : vector<16xf32> to vector<16xf32>
      %swap3A_44 = vector.shape_cast %broadcast_in_dim3A_2 : vector<16xf32> to vector<16xf32>
      tpu.vector_store %arg9[%swap3A_41], %swap3A_44 {strides = array<i32>} : memref<128xf32, #tpu.memory_space<vmem>>, vector<16xf32>,
      %swap3A_45 = arith.constant 112 : index
      %swap3A_46 = tpu.vector_load %arg9[%swap3A_45] {strides = array<i32>} : memref<128xf32, #tpu.memory_space<vmem>>, vector<16xf32>,
      %swap3A_47 = vector.shape_cast %swap3A_46 : vector<16xf32> to vector<16xf32>
      %swap3A_48 = vector.shape_cast %broadcast_in_dim3A_2 : vector<16xf32> to vector<16xf32>
      tpu.vector_store %arg9[%swap3A_45], %swap3A_48 {strides = array<i32>} : memref<128xf32, #tpu.memory_space<vmem>>, vector<16xf32>,
      "tpu.region"() ({
        %run_scoped3A_54 = tpu.sem_alloc : memref<!tpu.dma_semaphore, #tpu.memory_space<semaphore_mem>>
        %dma_start3A = arith.constant 0 : i32
        %dma_start3A_55 = tpu.memref_slice %arg12[%arg1, %dma_start3A] : memref<16x128xf32, #tpu.memory_space<vmem_shared>> -> memref<1x128xf32, #tpu.memory_space<vmem_shared>>
        %dma_start3A_56 = tpu.memref_squeeze %dma_start3A_55 : memref<1x128xf32, #tpu.memory_space<vmem_shared>> -> memref<128xf32, #tpu.memory_space<vmem_shared>>
        %dma_start3A_57 = arith.constant 0 : i32
        %dma_start3A_58 = tpu.memref_slice %arg12[%arg1, %dma_start3A_57] : memref<16x128xf32, #tpu.memory_space<vmem_shared>> -> memref<1x128xf32, #tpu.memory_space<vmem_shared>>
        %dma_start3A_59 = tpu.memref_squeeze %dma_start3A_58 : memref<1x128xf32, #tpu.memory_space<vmem_shared>> -> memref<128xf32, #tpu.memory_space<vmem_shared>>
        tpu.enqueue_dma source(%arg9 : memref<128xf32, #tpu.memory_space<vmem>>) target(%dma_start3A_59 : memref<128xf32, #tpu.memory_space<vmem_shared>>) target_semaphore(%run_scoped3A_54 : memref<!tpu.dma_semaphore, #tpu.memory_space<semaphore_mem>>)
        %dma_wait3A = arith.constant 0 : i32
        %dma_wait3A_60 = tpu.memref_slice %arg12[%arg1, %dma_wait3A] : memref<16x128xf32, #tpu.memory_space<vmem_shared>> -> memref<1x128xf32, #tpu.memory_space<vmem_shared>>
        %dma_wait3A_61 = tpu.memref_squeeze %dma_wait3A_60 : memref<1x128xf32, #tpu.memory_space<vmem_shared>> -> memref<128xf32, #tpu.memory_space<vmem_shared>>
        %dma_wait3A_62 = arith.constant 0 : i32
        %dma_wait3A_63 = tpu.memref_slice %arg12[%arg1, %dma_wait3A_62] : memref<16x128xf32, #tpu.memory_space<vmem_shared>> -> memref<1x128xf32, #tpu.memory_space<vmem_shared>>
        %dma_wait3A_64 = tpu.memref_squeeze %dma_wait3A_63 : memref<1x128xf32, #tpu.memory_space<vmem_shared>> -> memref<128xf32, #tpu.memory_space<vmem_shared>>
        tpu.wait_dma2 semaphore(%run_scoped3A_54 : memref<!tpu.dma_semaphore, #tpu.memory_space<semaphore_mem>>) src(%arg9 : memref<128xf32, #tpu.memory_space<vmem>>) dst(%dma_wait3A_64 : memref<128xf32, #tpu.memory_space<vmem_shared>>)
        tpu.yield
      }) : () -> ()
      %barrier3A = arith.constant 0 : index
      tpu.barrier barrier_id(%barrier3A)
      %eq3A_49 = arith.constant 0 : i32
      %eq3A_50 = arith.cmpi eq, %arg1, %eq3A_49 : i32
      %convert_element_type3A_51 = arith.extui %eq3A_50 : i1 to i32
      %cond3A_52 = arith.constant 0 : i32
      %cond3A_53 = arith.cmpi ne, %convert_element_type3A_51, %cond3A_52 : i32
      scf.if %cond3A_53 {
        "tpu.region"() ({
          %run_scoped3A_306 = tpu.sem_alloc : memref<!tpu.dma_semaphore, #tpu.memory_space<semaphore_mem>>
          tpu.enqueue_dma source(%arg12 : memref<16x128xf32, #tpu.memory_space<vmem_shared>>) target(%arg10 : memref<16x128xf32, #tpu.memory_space<vmem>>) target_semaphore(%run_scoped3A_306 : memref<!tpu.dma_semaphore, #tpu.memory_space<semaphore_mem>>)
          tpu.wait_dma2 semaphore(%run_scoped3A_306 : memref<!tpu.dma_semaphore, #tpu.memory_space<semaphore_mem>>) src(%arg12 : memref<16x128xf32, #tpu.memory_space<vmem_shared>>) dst(%arg10 : memref<16x128xf32, #tpu.memory_space<vmem>>)
          tpu.yield
        }) : () -> ()
        %get3A = arith.constant 0 : i32
        %get3A_54 = arith.index_cast %get3A : i32 to index
        %get3A_55 = arith.constant 0 : index
        %get3A_56 = tpu.vector_load %arg10[%get3A_54, %get3A_55] {strides = array<i32>} : memref<16x128xf32, #tpu.memory_space<vmem>>, vector<1x16xf32>,
        %get3A_57 = vector.shape_cast %get3A_56 : vector<1x16xf32> to vector<16xf32>
        %add3A = arith.addf %broadcast_in_dim3A_2, %get3A_57 : vector<16xf32>
        %get3A_58 = arith.constant 0 : i32
        %get3A_59 = arith.index_cast %get3A_58 : i32 to index
        %get3A_60 = arith.constant 16 : index
        %get3A_61 = tpu.vector_load %arg10[%get3A_59, %get3A_60] {strides = array<i32>} : memref<16x128xf32, #tpu.memory_space<vmem>>, vector<1x16xf32>,
        %get3A_62 = vector.shape_cast %get3A_61 : vector<1x16xf32> to vector<16xf32>
        %add3A_63 = arith.addf %broadcast_in_dim3A_2, %get3A_62 : vector<16xf32>
        %get3A_64 = arith.constant 1 : i32
        %get3A_65 = arith.index_cast %get3A_64 : i32 to index
        %get3A_66 = arith.constant 0 : index
        %get3A_67 = tpu.vector_load %arg10[%get3A_65, %get3A_66] {strides = array<i32>} : memref<16x128xf32, #tpu.memory_space<vmem>>, vector<1x16xf32>,
        %get3A_68 = vector.shape_cast %get3A_67 : vector<1x16xf32> to vector<16xf32>
        %add3A_69 = arith.addf %add3A, %get3A_68 : vector<16xf32>
        %get3A_70 = arith.constant 1 : i32
        %get3A_71 = arith.index_cast %get3A_70 : i32 to index
        %get3A_72 = arith.constant 16 : index
        %get3A_73 = tpu.vector_load %arg10[%get3A_71, %get3A_72] {strides = array<i32>} : memref<16x128xf32, #tpu.memory_space<vmem>>, vector<1x16xf32>,
        %get3A_74 = vector.shape_cast %get3A_73 : vector<1x16xf32> to vector<16xf32>
        %add3A_75 = arith.addf %add3A_63, %get3A_74 : vector<16xf32>
        %get3A_76 = arith.constant 2 : i32
        %get3A_77 = arith.index_cast %get3A_76 : i32 to index
        %get3A_78 = arith.constant 0 : index
        %get3A_79 = tpu.vector_load %arg10[%get3A_77, %get3A_78] {strides = array<i32>} : memref<16x128xf32, #tpu.memory_space<vmem>>, vector<1x16xf32>,
        %get3A_80 = vector.shape_cast %get3A_79 : vector<1x16xf32> to vector<16xf32>
        %add3A_81 = arith.addf %add3A_69, %get3A_80 : vector<16xf32>
        %get3A_82 = arith.constant 2 : i32
        %get3A_83 = arith.index_cast %get3A_82 : i32 to index
        %get3A_84 = arith.constant 16 : index
        %get3A_85 = tpu.vector_load %arg10[%get3A_83, %get3A_84] {strides = array<i32>} : memref<16x128xf32, #tpu.memory_space<vmem>>, vector<1x16xf32>,
        %get3A_86 = vector.shape_cast %get3A_85 : vector<1x16xf32> to vector<16xf32>
        %add3A_87 = arith.addf %add3A_75, %get3A_86 : vector<16xf32>
        %get3A_88 = arith.constant 3 : i32
        %get3A_89 = arith.index_cast %get3A_88 : i32 to index
        %get3A_90 = arith.constant 0 : index
        %get3A_91 = tpu.vector_load %arg10[%get3A_89, %get3A_90] {strides = array<i32>} : memref<16x128xf32, #tpu.memory_space<vmem>>, vector<1x16xf32>,
        %get3A_92 = vector.shape_cast %get3A_91 : vector<1x16xf32> to vector<16xf32>
        %add3A_93 = arith.addf %add3A_81, %get3A_92 : vector<16xf32>
        %get3A_94 = arith.constant 3 : i32
        %get3A_95 = arith.index_cast %get3A_94 : i32 to index
        %get3A_96 = arith.constant 16 : index
        %get3A_97 = tpu.vector_load %arg10[%get3A_95, %get3A_96] {strides = array<i32>} : memref<16x128xf32, #tpu.memory_space<vmem>>, vector<1x16xf32>,
        %get3A_98 = vector.shape_cast %get3A_97 : vector<1x16xf32> to vector<16xf32>
        %add3A_99 = arith.addf %add3A_87, %get3A_98 : vector<16xf32>
        %get3A_100 = arith.constant 4 : i32
        %get3A_101 = arith.index_cast %get3A_100 : i32 to index
        %get3A_102 = arith.constant 0 : index
        %get3A_103 = tpu.vector_load %arg10[%get3A_101, %get3A_102] {strides = array<i32>} : memref<16x128xf32, #tpu.memory_space<vmem>>, vector<1x16xf32>,
        %get3A_104 = vector.shape_cast %get3A_103 : vector<1x16xf32> to vector<16xf32>
        %add3A_105 = arith.addf %add3A_93, %get3A_104 : vector<16xf32>
        %get3A_106 = arith.constant 4 : i32
        %get3A_107 = arith.index_cast %get3A_106 : i32 to index
        %get3A_108 = arith.constant 16 : index
        %get3A_109 = tpu.vector_load %arg10[%get3A_107, %get3A_108] {strides = array<i32>} : memref<16x128xf32, #tpu.memory_space<vmem>>, vector<1x16xf32>,
        %get3A_110 = vector.shape_cast %get3A_109 : vector<1x16xf32> to vector<16xf32>
        %add3A_111 = arith.addf %add3A_99, %get3A_110 : vector<16xf32>
        %get3A_112 = arith.constant 5 : i32
        %get3A_113 = arith.index_cast %get3A_112 : i32 to index
        %get3A_114 = arith.constant 0 : index
        %get3A_115 = tpu.vector_load %arg10[%get3A_113, %get3A_114] {strides = array<i32>} : memref<16x128xf32, #tpu.memory_space<vmem>>, vector<1x16xf32>,
        %get3A_116 = vector.shape_cast %get3A_115 : vector<1x16xf32> to vector<16xf32>
        %add3A_117 = arith.addf %add3A_105, %get3A_116 : vector<16xf32>
        %get3A_118 = arith.constant 5 : i32
        %get3A_119 = arith.index_cast %get3A_118 : i32 to index
        %get3A_120 = arith.constant 16 : index
        %get3A_121 = tpu.vector_load %arg10[%get3A_119, %get3A_120] {strides = array<i32>} : memref<16x128xf32, #tpu.memory_space<vmem>>, vector<1x16xf32>,
        %get3A_122 = vector.shape_cast %get3A_121 : vector<1x16xf32> to vector<16xf32>
        %add3A_123 = arith.addf %add3A_111, %get3A_122 : vector<16xf32>
        %get3A_124 = arith.constant 6 : i32
        %get3A_125 = arith.index_cast %get3A_124 : i32 to index
        %get3A_126 = arith.constant 0 : index
        %get3A_127 = tpu.vector_load %arg10[%get3A_125, %get3A_126] {strides = array<i32>} : memref<16x128xf32, #tpu.memory_space<vmem>>, vector<1x16xf32>,
        %get3A_128 = vector.shape_cast %get3A_127 : vector<1x16xf32> to vector<16xf32>
        %add3A_129 = arith.addf %add3A_117, %get3A_128 : vector<16xf32>
        %get3A_130 = arith.constant 6 : i32
        %get3A_131 = arith.index_cast %get3A_130 : i32 to index
        %get3A_132 = arith.constant 16 : index
        %get3A_133 = tpu.vector_load %arg10[%get3A_131, %get3A_132] {strides = array<i32>} : memref<16x128xf32, #tpu.memory_space<vmem>>, vector<1x16xf32>,
        %get3A_134 = vector.shape_cast %get3A_133 : vector<1x16xf32> to vector<16xf32>
        %add3A_135 = arith.addf %add3A_123, %get3A_134 : vector<16xf32>
        %get3A_136 = arith.constant 7 : i32
        %get3A_137 = arith.index_cast %get3A_136 : i32 to index
        %get3A_138 = arith.constant 0 : index
        %get3A_139 = tpu.vector_load %arg10[%get3A_137, %get3A_138] {strides = array<i32>} : memref<16x128xf32, #tpu.memory_space<vmem>>, vector<1x16xf32>,
        %get3A_140 = vector.shape_cast %get3A_139 : vector<1x16xf32> to vector<16xf32>
        %add3A_141 = arith.addf %add3A_129, %get3A_140 : vector<16xf32>
        %get3A_142 = arith.constant 7 : i32
        %get3A_143 = arith.index_cast %get3A_142 : i32 to index
        %get3A_144 = arith.constant 16 : index
        %get3A_145 = tpu.vector_load %arg10[%get3A_143, %get3A_144] {strides = array<i32>} : memref<16x128xf32, #tpu.memory_space<vmem>>, vector<1x16xf32>,
        %get3A_146 = vector.shape_cast %get3A_145 : vector<1x16xf32> to vector<16xf32>
        %add3A_147 = arith.addf %add3A_135, %get3A_146 : vector<16xf32>
        %get3A_148 = arith.constant 8 : i32
        %get3A_149 = arith.index_cast %get3A_148 : i32 to index
        %get3A_150 = arith.constant 0 : index
        %get3A_151 = tpu.vector_load %arg10[%get3A_149, %get3A_150] {strides = array<i32>} : memref<16x128xf32, #tpu.memory_space<vmem>>, vector<1x16xf32>,
        %get3A_152 = vector.shape_cast %get3A_151 : vector<1x16xf32> to vector<16xf32>
        %add3A_153 = arith.addf %add3A_141, %get3A_152 : vector<16xf32>
        %get3A_154 = arith.constant 8 : i32
        %get3A_155 = arith.index_cast %get3A_154 : i32 to index
        %get3A_156 = arith.constant 16 : index
        %get3A_157 = tpu.vector_load %arg10[%get3A_155, %get3A_156] {strides = array<i32>} : memref<16x128xf32, #tpu.memory_space<vmem>>, vector<1x16xf32>,
        %get3A_158 = vector.shape_cast %get3A_157 : vector<1x16xf32> to vector<16xf32>
        %add3A_159 = arith.addf %add3A_147, %get3A_158 : vector<16xf32>
        %get3A_160 = arith.constant 9 : i32
        %get3A_161 = arith.index_cast %get3A_160 : i32 to index
        %get3A_162 = arith.constant 0 : index
        %get3A_163 = tpu.vector_load %arg10[%get3A_161, %get3A_162] {strides = array<i32>} : memref<16x128xf32, #tpu.memory_space<vmem>>, vector<1x16xf32>,
        %get3A_164 = vector.shape_cast %get3A_163 : vector<1x16xf32> to vector<16xf32>
        %add3A_165 = arith.addf %add3A_153, %get3A_164 : vector<16xf32>
        %get3A_166 = arith.constant 9 : i32
        %get3A_167 = arith.index_cast %get3A_166 : i32 to index
        %get3A_168 = arith.constant 16 : index
        %get3A_169 = tpu.vector_load %arg10[%get3A_167, %get3A_168] {strides = array<i32>} : memref<16x128xf32, #tpu.memory_space<vmem>>, vector<1x16xf32>,
        %get3A_170 = vector.shape_cast %get3A_169 : vector<1x16xf32> to vector<16xf32>
        %add3A_171 = arith.addf %add3A_159, %get3A_170 : vector<16xf32>
        %get3A_172 = arith.constant 10 : i32
        %get3A_173 = arith.index_cast %get3A_172 : i32 to index
        %get3A_174 = arith.constant 0 : index
        %get3A_175 = tpu.vector_load %arg10[%get3A_173, %get3A_174] {strides = array<i32>} : memref<16x128xf32, #tpu.memory_space<vmem>>, vector<1x16xf32>,
        %get3A_176 = vector.shape_cast %get3A_175 : vector<1x16xf32> to vector<16xf32>
        %add3A_177 = arith.addf %add3A_165, %get3A_176 : vector<16xf32>
        %get3A_178 = arith.constant 10 : i32
        %get3A_179 = arith.index_cast %get3A_178 : i32 to index
        %get3A_180 = arith.constant 16 : index
        %get3A_181 = tpu.vector_load %arg10[%get3A_179, %get3A_180] {strides = array<i32>} : memref<16x128xf32, #tpu.memory_space<vmem>>, vector<1x16xf32>,
        %get3A_182 = vector.shape_cast %get3A_181 : vector<1x16xf32> to vector<16xf32>
        %add3A_183 = arith.addf %add3A_171, %get3A_182 : vector<16xf32>
        %get3A_184 = arith.constant 11 : i32
        %get3A_185 = arith.index_cast %get3A_184 : i32 to index
        %get3A_186 = arith.constant 0 : index
        %get3A_187 = tpu.vector_load %arg10[%get3A_185, %get3A_186] {strides = array<i32>} : memref<16x128xf32, #tpu.memory_space<vmem>>, vector<1x16xf32>,
        %get3A_188 = vector.shape_cast %get3A_187 : vector<1x16xf32> to vector<16xf32>
        %add3A_189 = arith.addf %add3A_177, %get3A_188 : vector<16xf32>
        %get3A_190 = arith.constant 11 : i32
        %get3A_191 = arith.index_cast %get3A_190 : i32 to index
        %get3A_192 = arith.constant 16 : index
        %get3A_193 = tpu.vector_load %arg10[%get3A_191, %get3A_192] {strides = array<i32>} : memref<16x128xf32, #tpu.memory_space<vmem>>, vector<1x16xf32>,
        %get3A_194 = vector.shape_cast %get3A_193 : vector<1x16xf32> to vector<16xf32>
        %add3A_195 = arith.addf %add3A_183, %get3A_194 : vector<16xf32>
        %get3A_196 = arith.constant 12 : i32
        %get3A_197 = arith.index_cast %get3A_196 : i32 to index
        %get3A_198 = arith.constant 0 : index
        %get3A_199 = tpu.vector_load %arg10[%get3A_197, %get3A_198] {strides = array<i32>} : memref<16x128xf32, #tpu.memory_space<vmem>>, vector<1x16xf32>,
        %get3A_200 = vector.shape_cast %get3A_199 : vector<1x16xf32> to vector<16xf32>
        %add3A_201 = arith.addf %add3A_189, %get3A_200 : vector<16xf32>
        %get3A_202 = arith.constant 12 : i32
        %get3A_203 = arith.index_cast %get3A_202 : i32 to index
        %get3A_204 = arith.constant 16 : index
        %get3A_205 = tpu.vector_load %arg10[%get3A_203, %get3A_204] {strides = array<i32>} : memref<16x128xf32, #tpu.memory_space<vmem>>, vector<1x16xf32>,
        %get3A_206 = vector.shape_cast %get3A_205 : vector<1x16xf32> to vector<16xf32>
        %add3A_207 = arith.addf %add3A_195, %get3A_206 : vector<16xf32>
        %get3A_208 = arith.constant 13 : i32
        %get3A_209 = arith.index_cast %get3A_208 : i32 to index
        %get3A_210 = arith.constant 0 : index
        %get3A_211 = tpu.vector_load %arg10[%get3A_209, %get3A_210] {strides = array<i32>} : memref<16x128xf32, #tpu.memory_space<vmem>>, vector<1x16xf32>,
        %get3A_212 = vector.shape_cast %get3A_211 : vector<1x16xf32> to vector<16xf32>
        %add3A_213 = arith.addf %add3A_201, %get3A_212 : vector<16xf32>
        %get3A_214 = arith.constant 13 : i32
        %get3A_215 = arith.index_cast %get3A_214 : i32 to index
        %get3A_216 = arith.constant 16 : index
        %get3A_217 = tpu.vector_load %arg10[%get3A_215, %get3A_216] {strides = array<i32>} : memref<16x128xf32, #tpu.memory_space<vmem>>, vector<1x16xf32>,
        %get3A_218 = vector.shape_cast %get3A_217 : vector<1x16xf32> to vector<16xf32>
        %add3A_219 = arith.addf %add3A_207, %get3A_218 : vector<16xf32>
        %get3A_220 = arith.constant 14 : i32
        %get3A_221 = arith.index_cast %get3A_220 : i32 to index
        %get3A_222 = arith.constant 0 : index
        %get3A_223 = tpu.vector_load %arg10[%get3A_221, %get3A_222] {strides = array<i32>} : memref<16x128xf32, #tpu.memory_space<vmem>>, vector<1x16xf32>,
        %get3A_224 = vector.shape_cast %get3A_223 : vector<1x16xf32> to vector<16xf32>
        %add3A_225 = arith.addf %add3A_213, %get3A_224 : vector<16xf32>
        %get3A_226 = arith.constant 14 : i32
        %get3A_227 = arith.index_cast %get3A_226 : i32 to index
        %get3A_228 = arith.constant 16 : index
        %get3A_229 = tpu.vector_load %arg10[%get3A_227, %get3A_228] {strides = array<i32>} : memref<16x128xf32, #tpu.memory_space<vmem>>, vector<1x16xf32>,
        %get3A_230 = vector.shape_cast %get3A_229 : vector<1x16xf32> to vector<16xf32>
        %add3A_231 = arith.addf %add3A_219, %get3A_230 : vector<16xf32>
        %get3A_232 = arith.constant 15 : i32
        %get3A_233 = arith.index_cast %get3A_232 : i32 to index
        %get3A_234 = arith.constant 0 : index
        %get3A_235 = tpu.vector_load %arg10[%get3A_233, %get3A_234] {strides = array<i32>} : memref<16x128xf32, #tpu.memory_space<vmem>>, vector<1x16xf32>,
        %get3A_236 = vector.shape_cast %get3A_235 : vector<1x16xf32> to vector<16xf32>
        %add3A_237 = arith.addf %add3A_225, %get3A_236 : vector<16xf32>
        %get3A_238 = arith.constant 15 : i32
        %get3A_239 = arith.index_cast %get3A_238 : i32 to index
        %get3A_240 = arith.constant 16 : index
        %get3A_241 = tpu.vector_load %arg10[%get3A_239, %get3A_240] {strides = array<i32>} : memref<16x128xf32, #tpu.memory_space<vmem>>, vector<1x16xf32>,
        %get3A_242 = vector.shape_cast %get3A_241 : vector<1x16xf32> to vector<16xf32>
        %add3A_243 = arith.addf %add3A_231, %get3A_242 : vector<16xf32>
        %slice3A = vector.extract_strided_slice %add3A_237 {offsets = [0], sizes = [1], strides = [1]} : vector<16xf32> to vector<1xf32>
        %squeeze3A = vector.extract %slice3A[0] : f32 from vector<1xf32>
        %slice3A_244 = vector.extract_strided_slice %add3A_237 {offsets = [1], sizes = [1], strides = [1]} : vector<16xf32> to vector<1xf32>
        %squeeze3A_245 = vector.extract %slice3A_244[0] : f32 from vector<1xf32>
        %add3A_246 = arith.addf %squeeze3A, %squeeze3A_245 : f32
        %slice3A_247 = vector.extract_strided_slice %add3A_237 {offsets = [2], sizes = [1], strides = [1]} : vector<16xf32> to vector<1xf32>
        %squeeze3A_248 = vector.extract %slice3A_247[0] : f32 from vector<1xf32>
        %add3A_249 = arith.addf %add3A_246, %squeeze3A_248 : f32
        %slice3A_250 = vector.extract_strided_slice %add3A_237 {offsets = [3], sizes = [1], strides = [1]} : vector<16xf32> to vector<1xf32>
        %squeeze3A_251 = vector.extract %slice3A_250[0] : f32 from vector<1xf32>
        %add3A_252 = arith.addf %add3A_249, %squeeze3A_251 : f32
        %slice3A_253 = vector.extract_strided_slice %add3A_237 {offsets = [4], sizes = [1], strides = [1]} : vector<16xf32> to vector<1xf32>
        %squeeze3A_254 = vector.extract %slice3A_253[0] : f32 from vector<1xf32>
        %add3A_255 = arith.addf %add3A_252, %squeeze3A_254 : f32
        %slice3A_256 = vector.extract_strided_slice %add3A_237 {offsets = [5], sizes = [1], strides = [1]} : vector<16xf32> to vector<1xf32>
        %squeeze3A_257 = vector.extract %slice3A_256[0] : f32 from vector<1xf32>
        %add3A_258 = arith.addf %add3A_255, %squeeze3A_257 : f32
        %slice3A_259 = vector.extract_strided_slice %add3A_237 {offsets = [6], sizes = [1], strides = [1]} : vector<16xf32> to vector<1xf32>
        %squeeze3A_260 = vector.extract %slice3A_259[0] : f32 from vector<1xf32>
        %add3A_261 = arith.addf %add3A_258, %squeeze3A_260 : f32
        %slice3A_262 = vector.extract_strided_slice %add3A_237 {offsets = [7], sizes = [1], strides = [1]} : vector<16xf32> to vector<1xf32>
        %squeeze3A_263 = vector.extract %slice3A_262[0] : f32 from vector<1xf32>
        %add3A_264 = arith.addf %add3A_261, %squeeze3A_263 : f32
        %slice3A_265 = vector.extract_strided_slice %add3A_237 {offsets = [8], sizes = [1], strides = [1]} : vector<16xf32> to vector<1xf32>
        %squeeze3A_266 = vector.extract %slice3A_265[0] : f32 from vector<1xf32>
        %add3A_267 = arith.addf %add3A_264, %squeeze3A_266 : f32
        %slice3A_268 = vector.extract_strided_slice %add3A_237 {offsets = [9], sizes = [1], strides = [1]} : vector<16xf32> to vector<1xf32>
        %squeeze3A_269 = vector.extract %slice3A_268[0] : f32 from vector<1xf32>
        %add3A_270 = arith.addf %add3A_267, %squeeze3A_269 : f32
        %slice3A_271 = vector.extract_strided_slice %add3A_237 {offsets = [10], sizes = [1], strides = [1]} : vector<16xf32> to vector<1xf32>
        %squeeze3A_272 = vector.extract %slice3A_271[0] : f32 from vector<1xf32>
        %add3A_273 = arith.addf %add3A_270, %squeeze3A_272 : f32
        %slice3A_274 = vector.extract_strided_slice %add3A_237 {offsets = [11], sizes = [1], strides = [1]} : vector<16xf32> to vector<1xf32>
        %squeeze3A_275 = vector.extract %slice3A_274[0] : f32 from vector<1xf32>
        %add3A_276 = arith.addf %add3A_273, %squeeze3A_275 : f32
        %slice3A_277 = vector.extract_strided_slice %add3A_237 {offsets = [12], sizes = [1], strides = [1]} : vector<16xf32> to vector<1xf32>
        %squeeze3A_278 = vector.extract %slice3A_277[0] : f32 from vector<1xf32>
        %add3A_279 = arith.addf %add3A_276, %squeeze3A_278 : f32
        %slice3A_280 = vector.extract_strided_slice %add3A_237 {offsets = [13], sizes = [1], strides = [1]} : vector<16xf32> to vector<1xf32>
        %squeeze3A_281 = vector.extract %slice3A_280[0] : f32 from vector<1xf32>
        %add3A_282 = arith.addf %add3A_279, %squeeze3A_281 : f32
        %slice3A_283 = vector.extract_strided_slice %add3A_237 {offsets = [14], sizes = [1], strides = [1]} : vector<16xf32> to vector<1xf32>
        %squeeze3A_284 = vector.extract %slice3A_283[0] : f32 from vector<1xf32>
        %add3A_285 = arith.addf %add3A_282, %squeeze3A_284 : f32
        %slice3A_286 = vector.extract_strided_slice %add3A_237 {offsets = [15], sizes = [1], strides = [1]} : vector<16xf32> to vector<1xf32>
        %squeeze3A_287 = vector.extract %slice3A_286[0] : f32 from vector<1xf32>
        %add3A_288 = arith.addf %add3A_285, %squeeze3A_287 : f32
        %slice3A_289 = vector.extract_strided_slice %add3A_243 {offsets = [0], sizes = [1], strides = [1]} : vector<16xf32> to vector<1xf32>
        %squeeze3A_290 = vector.extract %slice3A_289[0] : f32 from vector<1xf32>
        %eq3A_291 = arith.constant 1.000000e+00 : f32
        %eq3A_292 = arith.cmpf oeq, %squeeze3A_290, %eq3A_291 : f32
        %jit3A_293 = arith.constant 0.000000e+00 : f32
        %select_n3A_294 = arith.select %eq3A_292, %jit3A_293, %add3A_288 : f32
        %eq3A_295 = arith.constant 0 : i32
        %eq3A_296 = vector.broadcast %eq3A_295 : i32 to vector<16xi32>
        %eq3A_297 = arith.cmpi eq, %iota3A, %eq3A_296 : vector<16xi32>
        %jit3A_298 = arith.constant 0.000000e+00 : f32
        %broadcast_in_dim3A_299 = vector.broadcast %select_n3A_294 : f32 to vector<16xf32>
        %broadcast_in_dim3A_300 = vector.broadcast %jit3A_298 : f32 to vector<16xf32>
        %select_n3A_301 = arith.select %eq3A_297, %broadcast_in_dim3A_299, %broadcast_in_dim3A_300 : vector<16xi1>, vector<16xf32>
        %swap3A_302 = arith.constant 0 : index
        %swap3A_303 = tpu.vector_load %arg11[%swap3A_302] {strides = array<i32>} : memref<16xf32, #tpu.memory_space<vmem>>, vector<16xf32>,
        %swap3A_304 = vector.shape_cast %swap3A_303 : vector<16xf32> to vector<16xf32>
        %swap3A_305 = vector.shape_cast %select_n3A_301 : vector<16xf32> to vector<16xf32>
        tpu.vector_store %arg11[%swap3A_302], %swap3A_305 {strides = array<i32>} : memref<16xf32, #tpu.memory_space<vmem>>, vector<16xf32>,
        "tpu.region"() ({
          %run_scoped3A_306 = tpu.sem_alloc : memref<!tpu.dma_semaphore, #tpu.memory_space<semaphore_mem>>
          tpu.enqueue_dma source(%arg11 : memref<16xf32, #tpu.memory_space<vmem>>) target(%arg4 : memref<16xf32, #tpu.memory_space<hbm>>) target_semaphore(%run_scoped3A_306 : memref<!tpu.dma_semaphore, #tpu.memory_space<semaphore_mem>>)
          tpu.wait_dma2 semaphore(%run_scoped3A_306 : memref<!tpu.dma_semaphore, #tpu.memory_space<semaphore_mem>>) src(%arg11 : memref<16xf32, #tpu.memory_space<vmem>>) dst(%arg4 : memref<16xf32, #tpu.memory_space<hbm>>)
          tpu.yield
        }) : () -> ()
      } else {
      }
    } else {
    }
    return
  }
}

</mosaic_0001>

<sc_bundles>
// kernel: kernel.4.cloned.1.call-start
scs
__scs_entry_jumppad:
0x0: {  	(pc) =	sbr.rel $0x88, $3  }
0x1: {  	(tag) =	ssettag $0x0;
	lr =	simm.s32 $0x1  }
0x2: {  	[smem:$0x3F9F] =	sst lr;
	_ =	strace $0xD0000000  }
0x3: {  	_ = 	snop  }
0x4: {  	_ = 	snop  }
0x5: {  	_ = 	snop  }
0x6: {  	_ = 	snop  }
0x7: {  	_ = 	snop  }
__scs_overlays_trampoline_lowered:
0x8: {  	[smem:$0x3FAE] =	sst s0  }
0x9: {  	[smem:$0x3FAF] =	sst s1  }
0xa: {  	[smem:$0x3FB0] =	sst s2  }
0xb: {  	[smem:$0x3FB1] =	sst s3  }
0xc: {  	[smem:$0x3FB2] =	sst s4  }
0xd: {  	[smem:$0x3FB3] =	sst s5  }
0xe: {  	[smem:$0x3FB4] =	sst s6  }
0xf: {  	[smem:$0x3FB5] =	sst s7  }
0x10: {  	[smem:$0x3FB6] =	sst s8  }
0x11: {  	[smem:$0x3FB7] =	sst s9;
	s0 =	simm.s32 @!p0 $0x0  }
0x12: {  	s1 =	sld [smem:$0x3F9D];
	s0 =	simm.s32 @p0 $0x1  }
0x13: {  	[smem:$0x3FB8] =	sst s0;
	s0 =	simm.s32 @!p1 $0x0  }
0x14: {  	s2 =	sld [smem:$0x3F9C];
	s0 =	simm.s32 @p1 $0x1  }
0x15: {  	[smem:$0x3FB9] =	sst s0;
	s0 =	simm.s32 @!p2 $0x0  }
0x16: {  	s3 =	sld [smem:$0x3FDB];
	s0 =	simm.s32 @p2 $0x1  }
0x17: {  	s4 =	simm.s32 $0x1BF5;
	[smem:$0x3FBB] =	sst s0  }
0x18: {  	s0 =	sld [smem:$0x3F9E];
	_ =	swait.ge [sflag:s4], $0x0  }
0x19: {  	s7 =	sld [smem:$0x3F9F]  }
0x1a: {  	s8 =	sadd.s32 $0xFFFFE003, lr  }
0x1b: {  	s9 =	sadd.s32 $0xFFFFFEF7, lr;
	s5 =	simm.s32 $0xFFFFFFFF;
	p2 =	slt.u32 s8, $0xFFFFF086  }
0x1c: {  	p1 =	slt.u32 s9, $0xF7A;
	s5 =	simm.s32 @!p2 $0x0  }
0x1d: {  	s5 =	simm.s32 @p1 $0x1;
	p0 =	seq.s32 s7, s2  }
0x1e: {  	s7 =	smul.u32 @!p0 $0xF7A, s2;
	p2 =	seq.s32 @!p0 s5, $0x0  }
0x1f: {  	s9 =	smul.u32 $0xF7A, s1;
	s8 =	simm.s32 @!p0 $0x1BF5;
	p2 =	por !p2, p0  }
0x20: {  	[sflag:s8] =	ssyncset.s32 @!p0 $0xFFFFF086;
	s6 =	sadd.s32 @!p0 s3, s7;
	s7 =	simm.s32 @!p0 $0x108  }
0x21: {  	s3 =	sadd.s32 s3, s9;
	s6 =	sadd.s32 @!p0 $0x88, s6;
	s7 =	simm.s32 @p2 $0x1082  }
0x22: {  	[simem:s7], [sflag:s8] =	dma.local @!p0 [hbm:s6], $0xF7A  }
0x23: {  	s9 =	sor.u32 $0xD0000000, s2;
	s6 =	simm.s32 $0x108;
	_ =	swait.ge @!p0 [sflag:s8], $0x0  }
0x24: {  	s3 =	sadd.s32 $0x88, s3;
	s6 =	simm.s32 @!p1 $0x1082;
	[sflag:s4] =	ssyncset.s32 $0xFFFFF086  }
0x25: {  	[simem:s6], [sflag:s4] =	dma.local [hbm:s3], $0xF7A  }
0x26: {  	[smem:$0x3F9F] =	sst s1;
	(tag) =	ssettag s2;
	_ =	strace s9  }
0x27: {  	s1 =	sld [smem:$0x3FAF]  }
0x28: {  	s2 =	sld [smem:$0x3FB0]  }
0x29: {  	s4 =	sld [smem:$0x3FB2]  }
0x2a: {  	p0 =	seq.s32 s5, $0x0;
	s5 =	sld [smem:$0x3FB3]  }
0x2b: {  	s6 =	sld [smem:$0x3FB4]  }
0x2c: {  	s7 =	sld [smem:$0x3FB5]  }
0x2d: {  	s3 =	simm.s32 $0x108;
	s8 =	sld [smem:$0x3FB6]  }
0x2e: {  	s3 =	simm.s32 @!p0 $0x1082;
	s9 =	sld [smem:$0x3FB7]  }
0x2f: {  	lr =	sadd.s32 s0, s3;
	s0 =	sld [smem:$0x3FAE]  }
0x30: {  	s3 =	sld [smem:$0x3FB1]  }
0x31: {  	[smem:$0x3FBA] =	sst s10  }
0x32: {  	s10 =	sld [smem:$0x3FB8];
	_ =	sdelay $0x3  }
0x33: {  	p0 =	seq.s32 s10, $0x1;
	s10 =	sld [smem:$0x3FBA];
	_ =	sdelay $0x3  }
0x34: {  	[smem:$0x3FBA] =	sst s10  }
0x35: {  	s10 =	sld [smem:$0x3FB9];
	_ =	sdelay $0x3  }
0x36: {  	p1 =	seq.s32 s10, $0x1;
	s10 =	sld [smem:$0x3FBA];
	_ =	sdelay $0x3  }
0x37: {  	[smem:$0x3FBA] =	sst s10  }
0x38: {  	s10 =	sld [smem:$0x3FBB]  }
0x39: {  	_ = 	snop;
	(pc) =	sbr.ind lr, $3  }
0x3a: {  	_ = 	snop  }
0x3b: {  	_ = 	snop  }
0x3c: {  	p2 =	seq.s32 s10, $0x1;
	s10 =	sld [smem:$0x3FBA]  }
0x3d: {  	_ =	shalt  }
0x3e: {  	_ =	shalt  }
0x3f: {  	_ =	shalt  }
0x40: {  	_ =	shalt  }
0x41: {  	_ =	shalt  }
0x42: {  	_ =	shalt  }
0x43: {  	_ =	shalt  }
0x44: {  	_ =	shalt  }
0x45: {  	_ =	shalt  }
0x46: {  	_ =	shalt  }
0x47: {  	_ =	shalt  }
0x48: {  	_ =	shalt  }
0x49: {  	_ =	shalt  }
0x4a: {  	_ =	shalt  }
0x4b: {  	_ =	shalt  }
0x4c: {  	_ =	shalt  }
0x4d: {  	_ =	shalt  }
0x4e: {  	_ =	shalt  }
0x4f: {  	_ =	shalt  }
0x50: {  	_ =	shalt  }
0x51: {  	_ =	shalt  }
0x52: {  	_ =	shalt  }
0x53: {  	_ =	shalt  }
0x54: {  	_ =	shalt  }
0x55: {  	_ =	shalt  }
0x56: {  	_ =	shalt  }
0x57: {  	_ =	shalt  }
0x58: {  	_ =	shalt  }
0x59: {  	_ =	shalt  }
0x5a: {  	_ =	shalt  }
0x5b: {  	_ =	shalt  }
0x5c: {  	_ =	shalt  }
0x5d: {  	_ =	shalt  }
0x5e: {  	_ =	shalt  }
0x5f: {  	_ =	shalt  }
0x60: {  	_ =	shalt  }
0x61: {  	_ =	shalt  }
0x62: {  	_ =	shalt  }
0x63: {  	_ =	shalt  }
0x64: {  	_ =	shalt  }
0x65: {  	_ =	shalt  }
0x66: {  	_ =	shalt  }
0x67: {  	_ =	shalt  }
0x68: {  	_ =	shalt  }
0x69: {  	_ =	shalt  }
0x6a: {  	_ =	shalt  }
0x6b: {  	_ =	shalt  }
0x6c: {  	_ =	shalt  }
0x6d: {  	_ =	shalt  }
0x6e: {  	_ =	shalt  }
0x6f: {  	_ =	shalt  }
0x70: {  	_ =	shalt  }
0x71: {  	_ =	shalt  }
0x72: {  	_ =	shalt  }
0x73: {  	_ =	shalt  }
0x74: {  	_ =	shalt  }
0x75: {  	_ =	shalt  }
0x76: {  	_ =	shalt  }
0x77: {  	_ =	shalt  }
0x78: {  	_ =	shalt  }
0x79: {  	_ =	shalt  }
0x7a: {  	_ =	shalt  }
0x7b: {  	_ =	shalt  }
0x7c: {  	_ =	shalt  }
0x7d: {  	_ =	shalt  }
0x7e: {  	_ =	shalt  }
0x7f: {  	_ =	shalt  }
0x80: {  	_ =	shalt  }
0x81: {  	_ =	shalt  }
0x82: {  	_ =	shalt  }
0x83: {  	_ =	shalt  }
0x84: {  	_ =	shalt  }
0x85: {  	_ =	shalt  }
0x86: {  	_ =	shalt  }
0x87: {  	_ =	shalt  }
.Lfunc_end0:
.L_simem_size_0:
called_computation_lowered:
.L_overlay_start_0:
0x88: {  	s2 =	sld [smem:$0x3FD9]  }
0x89: {  	s3 =	sld [smem:$0x3FFE];
	_ =	sdelay $0x1  }
0x8a: {  	s1 =	srdreg.scid  }
0x8b: {  	s0 =	sand.u32 $0x1, s1  }
0x8c: {  	s17 =	sshll.u32 s0, $0xA;
	s2 =	sadd.s32 s3, s2  }
0x8d: {  	s2 =	sadd.s32 s2, s17  }
0x8e: {  	[smem:$0x3FC6] =	sst s2  }
0x8f: {  	_ = 	snop  }
0x90: {  	s2 =	sld [smem:$0x3FC9]  }
0x91: {  	s18 =	sld [smem:$0x3FC8];
	(tm) =	ssettm $0x1  }
0x92: {  	s4 =	sld [smem:$0x3FFB];
	_ =	sdelay $0x3  }
0x93: {  	_ =	strace s4  }
0x94: {  	s4 =	sld [smem:$0x3FFC];
	_ =	sdelay $0x3  }
0x95: {  	_ =	strace s4  }
0x96: {  	s4 =	sld [smem:$0x3FFD];
	_ =	sdelay $0x3  }
0x97: {  	_ =	strace s4  }
0x98: {  	_ =	strace $0x8FFFFFFF  }
0x99: {  	s19 =	sld [smem:$0x3FDB];
	_ =	sdelay $0x1  }
0x9a: {  	s5 =	simm.s32 $_scs_section_size  }
0x9b: {  	s6 =	simm.s32 $_size__tile_overlayer_lowered;
	s7 =	simm.s32 $_tile_overlayer_lowered  }
0x9c: {  	s22 =	simm.s32 $0x1BFF;
	s21 =	sshll.u32 s7, $0x1;
	s4 =	sadd.s32 s5, s19  }
0x9d: {  	s8 =	simm.s32 $0x0;
	s20 =	sshll.u32 s6, $0x1;
	s6 =	sadd.s32 s21, s4  }
0x9e: {  	[timem:s8], [sflag:s22] =	dma.local [hbm:s6], s20  }
0x9f: {  	_ =	swait.ge [sflag:s22], s20  }
0xa0: {  	s5 =	ssub.s32 $0x0, s20;
	[sflag:s22] =	ssyncset.done $0x0  }
0xa1: {  	[sflag:s22] =	ssyncadd.s32 s5;
	_ =	sdelay $0x1  }
0xa2: {  	s23 =	simm.s32 $0x1B8B  }
0xa3: {  	_ =	swait.ge [sflag:s23], $0x1  }
0xa4: {  	[sflag:s23] =	ssyncset.done $0x0  }
0xa5: {  	s25 =	simm.s32 $0x1B8E;
	s24 =	sld [smem:$0x3FFE];
	[sflag:s23] =	ssyncadd.s32 $0xFFFFFFFF  }
0xa6: {  	s26 =	simm.s32 $execute0_lowered;
	[smem:$0x3FD2] =	sst s25  }
0xa7: {  	s6 =	sshll.u32 s26, $0x1;
	_ =	strace $0x80000046;
	[dreg:$0x1] =	wrdreg $0xFFFFFFFF  }
0xa8: {  	s28 =	simm.s32 $_size_execute0_lowered;
	s4 =	sadd.s32 s4, s6;
	[dreg:$0x0] =	wrdreg $0x0  }
0xa9: {  	s6 =	sshll.u32 s28, $0x1;
	[dreg:$0x2] =	wrdreg s4  }
0xaa: {  	[dreg:$0x3] =	wrdreg s6  }
0xab: {  	[dreg:$0x4] =	wrdreg $0xC0  }
0xac: {  	_ =	task [dreg:s8], $0x5FFFF  }
0xad: {  	[dreg:$0x1] =	wrdreg $0xFFFFFFFF  }
0xae: {  	[dreg:$0x0] =	wrdreg $0x60  }
0xaf: {  	[dreg:$0x2] =	wrdreg s2  }
0xb0: {  	[dreg:$0x3] =	wrdreg s18  }
0xb1: {  	[dreg:$0x4] =	wrdreg s24  }
0xb2: {  	[dreg:$0x5] =	wrdreg $0x1C5200  }
0xb3: {  	[dreg:$0x6] =	wrdreg $0x1E5200  }
0xb4: {  	[dreg:$0x7] =	wrdreg $0x9  }
0xb5: {  	_ =	task.clear_ibuf [dreg:s8], $0x8FFFF;
	_ =	strace $0x90000046  }
0xb6: {  	s29 =	simm.s32 $0x9;
	_ =	strace $0x80000048  }
0xb7: {  	_ =	swait.ge [sflag:s29], $0x1  }
0xb8: {  	[sflag:s29] =	ssyncadd.s32 $0xFFFFFFFF  }
0xb9: {  	_ =	strace $0x90000048  }
0xba: {  	_ =	sfence  }
0xbb: {  	s30 =	sld [smem:$0x0];
	_ =	sdelay $0x2  }
0xbc: {  	s31 =	sshll.u32 s1, $0xD;
	s1 =	sshrl.u32 s1, $0x2  }
0xbd: {  	s3 =	sand.u32 $0x4000, s31;
	s1 =	sadd.s32 s1, s30  }
0xbe: {  	s0 =	sor.u32 s3, s0;
	s1 =	sshll.u32 s1, $0x11  }
0xbf: {  	s0 =	sor.u32 s1, s0  }
0xc0: {  	s0 =	sadd.s32 $0x8F2B, s0  }
0xc1: {  	[sflag:s0] =	ssyncadd.remote.s32 $0x1  }
0xc2: {  	_ =	sfence.sel $0xFFFF  }
0xc3: {  	[dreg:$0x0] =	wrdreg $0xFFFFFFFF;
	(pc) =	sbr.abs _section_cstart, $3  }
0xc4: {  	[dreg:$0x1] =	wrdreg $0xFFFFFFFF  }
0xc5: {  	_ =	task.clear_ibuf [dreg:s8], $0x2FFFF;
	_ =	strace $0x9FFFFFFF  }
0xc6: {  	(tm) =	ssettm $0x7FFFFFFF  }
0xc7: {  	_ =	shalt  }
tec
execute0_lowered:
.L_overlay_start_1:
0x0: {  	(tag) =	ssettag $0x1  }
0x1: {  	s0 =	rddreg [dreg:$0x0]  }
0x2: {  	s2 =	rddreg [dreg:$0x1]  }
0x3: {  	s1 =	rddreg [dreg:$0x2]  }
0x4: {  	s3 =	srdreg.scid;
	s4 =	rddreg [dreg:$0x3]  }
0x5: {  	s12 =	stileid.u32;
	s5 =	rddreg [dreg:$0x4]  }
0x6: {  	s6 =	simm.s32 $0x0;
	s15 =	simm.s32 $0x8;
	s16 =	simm.s32 $0x19000  }
0x7: {  	s17 =	simm.s32 $0x1C200;
	s18 =	simm.s32 $0x1;
	s19 =	simm.s32 $0x3  }
0x8: {  	s20 =	simm.s32 $0x190;
	s21 =	simm.s32 $0xC800;
	s22 =	simm.s32 $0x1C390  }
0x9: {  	s23 =	simm.s32 $0x2;
	s24 =	simm.s32 $0x4;
	s25 =	simm.s32 $0x7  }
0xa: {  	s28 =	simm.s32 $0x6;
	s29 =	simm.s32 $0x0;
	s3 =	sand.u32 $0x1, s3  }
0xb: {  	s8 =	sshll.u32 s12, $0xD;
	[smem:$0x7FF] =	sst s6;
	s9 =	sshll.u32 s12, $0xB  }
0xc: {  	s7 =	sshll.u32 s3, $0x11;
	_ =	strace $0x80000047;
	s26 =	sshll.u32 s3, $0x4  }
0xd: {  	s11 =	sshll.u32 s3, $0xF;
	s3 =	ssub.s32 $0x2, s3;
	s7 =	sor.u32 s8, s7  }
0xe: {  	s12 =	sor.u32 s12, s26;
	s11 =	sor.u32 s9, s11;
	s7 =	sshrl.u32 s7, $0x3  }
0xf: {  	s13 =	sshrl.u32 s3, $0x1;
	s10 =	sadd.s32 s7, s1;
	s7 =	smul.u32 $0x2710, s12  }
.Ltmp0:
0x10: {  	s8 =	sadd.s32 s8, s4;
	s9 =	sadd.s32 s9, s5;
	(pc) =	sbr.rel .LBB2_1-.Ltmp0, $4  }
0x11: {  	s11 =	sshrl.u32 s11, $0x3;
	s3 =	ssub.s32 s3, s13;
	s12 =	smul.u32 $0x27100, s12  }
0x12: {  	s26 =	simm.s32 $0x5;
	s1 =	sadd.s32 s11, s1;
	s14 =	smax.u32 s3, $0x1  }
0x13: {  	v0 =	vimm.f32 $0.0e+00;
	vm0 =	vcmask $0x300;
	s13 =	sadd.s32 $0x8C00, s1;
	s30 =	sadd.s32 s0, s12;
	s31 =	sshrl.u32 s7, $0x3  }
0x14: {  	v1 =	vsel vm0, $0x3F800000, v0;
	s12 =	sadd.s32 $0xC00, s10;
	[dreg:$0x6] =	wrdreg s30;
	s11 =	sadd.s32 s2, s31  }
.LBB2_14:
0x15: {  	_ =	swait.ge [sflag:s26], $0xC800  }
0x16: {  	[sflag:s26] =	ssyncset.done $0x0  }
0x17: {  	[sflag:s26] =	ssyncadd.s32 $0xFFFF3800  }
0x18: {  	_ =	swait.ge [sflag:s28], $0xC800  }
0x19: {  	[sflag:s28] =	ssyncset.done $0x0  }
0x1a: {  	[sflag:s28] =	ssyncadd.s32 $0xFFFF3800  }
0x1b: {  	_ =	swait.ge [sflag:s25], $0x3200  }
0x1c: {  	s1 =	stileid.u32;
	[sflag:s25] =	ssyncset.done $0x0  }
0x1d: {  	s1 =	sshll.u32 s1, $0x6;
	[sflag:s25] =	ssyncadd.s32 $0xFFFFCE00  }
0x1e: {  	s3 =	sshrl.u32 s8, $0x3;
	s1 =	sor.u32 $0x1C08, s1;
	[bflag:$0x0] =	sbarrier.arrive $0xFFFF  }
0x1f: {  	[hbm:s12], [sflag:s1] =	dma.local [spmem:s3], $0x400  }
0x20: {  	s29 =	sadd.s32 $0x1, s29;
	_ =	swait.ge [sflag:s15], $0x400  }
0x21: {  	p0 =	sne.s32 s29, s14;
	[sflag:s15] =	ssyncset.done $0x0  }
.Ltmp1:
0x22: {  	s31 =	sshrl.u32 s9, $0x3;
	[sflag:s15] =	ssyncadd.s32 $0xFFFFFC00;
	(pc) =	sbr.rel @!p0 .LBB2_15-.Ltmp1, $4  }
0x23: {  	[hbm:s13], [sflag:s1] =	dma.local [spmem:s31], $0x100  }
0x24: {  	_ =	swait.ge [sflag:s15], $0x100  }
0x25: {  	[sflag:s15] =	ssyncset.done $0x0  }
0x26: {  	[sflag:s15] =	ssyncadd.s32 $0xFFFFFF00  }
.LBB2_1:
0x27: {  	s1 =	simm.s32 $0x100  }
0x28: {  	[tilespmem:s1+$0xFFFFFF00] =	vst v0  }
0x29: {  	[tilespmem:s1+$0xFFFFFF70] =	vst v0  }
0x2a: {  	[tilespmem:s1+$0xFFFFFF60] =	vst v0  }
0x2b: {  	[tilespmem:s1+$0x60] =	vst v0  }
0x2c: {  	[tilespmem:s1+$0x70] =	vst v0  }
0x2d: {  	[tilespmem:s1+$0xF0] =	vst v0  }
0x2e: {  	[tilespmem:s1+$0xE0] =	vst v0  }
0x2f: {  	[tilespmem:s1+$0xD0] =	vst v0  }
0x30: {  	[tilespmem:s1+$0xC0] =	vst v0  }
0x31: {  	[tilespmem:s1+$0xB0] =	vst v0  }
0x32: {  	[tilespmem:s1+$0xA0] =	vst v0  }
0x33: {  	[tilespmem:s1+$0x90] =	vst v0  }
0x34: {  	[tilespmem:s1+$0x80] =	vst v0  }
0x35: {  	[tilespmem:s1+$0x50] =	vst v0  }
0x36: {  	[tilespmem:s1+$0x40] =	vst v0  }
0x37: {  	[tilespmem:s1+$0x30] =	vst v0  }
0x38: {  	[tilespmem:s1+$0x20] =	vst v0  }
0x39: {  	[tilespmem:s1+$0x10] =	vst v0  }
0x3a: {  	[tilespmem:s1+$0x0] =	vst v0  }
0x3b: {  	[tilespmem:s1+$0xFFFFFFF0] =	vst v0  }
0x3c: {  	[tilespmem:s1+$0xFFFFFFE0] =	vst v0  }
0x3d: {  	[tilespmem:s1+$0xFFFFFFD0] =	vst v0  }
0x3e: {  	[tilespmem:s1+$0xFFFFFFC0] =	vst v0  }
0x3f: {  	[tilespmem:s1+$0xFFFFFFB0] =	vst v0  }
0x40: {  	[tilespmem:s1+$0xFFFFFFA0] =	vst v0  }
0x41: {  	[tilespmem:s1+$0xFFFFFF90] =	vst v0  }
0x42: {  	[tilespmem:s1+$0xFFFFFF80] =	vst v0  }
0x43: {  	[tilespmem:s1+$0xFFFFFF50] =	vst v0  }
0x44: {  	[tilespmem:s1+$0xFFFFFF40] =	vst v0  }
0x45: {  	[tilespmem:s1+$0xFFFFFF30] =	vst v0  }
0x46: {  	[tilespmem:s1+$0xFFFFFF20] =	vst v0  }
0x47: {  	s3 =	simm.s32 $0x19040;
	[tilespmem:s1+$0xFFFFFF10] =	vst v0  }
0x48: {  	[tilespmem:s3+$0x30] =	vst v0  }
0x49: {  	[tilespmem:s3+$0x20] =	vst v0  }
0x4a: {  	[tilespmem:s3+$0x0] =	vst v0  }
0x4b: {  	[tilespmem:s3+$0x10] =	vst v0  }
0x4c: {  	[tilespmem:s3+$0xFFFFFFF0] =	vst v0  }
0x4d: {  	s10 =	simm.s32 $0x0;
	s30 =	simm.s32 $0x19040;
	[tilespmem:s3+$0xFFFFFFE0] =	vst v0  }
.LBB2_2:
0x4e: {  	s10 =	sadd.s32 $0x4, s10;
	[tilespmem:s3+$0xFFFFFFC0] =	vst v0;
	s1 =	sadd.s32 $0x200, s1;
	s30 =	sadd.s32 $0x80, s30  }
0x4f: {  	p0 =	slt.u32 s10, $0x3C;
	[tilespmem:s3+$0xFFFFFFD0] =	vst v0;
	s3 =	smov.u32 s30  }
0x50: {  	[tilespmem:s1+$0xFFFFFF00] =	vst v0  }
0x51: {  	[tilespmem:s1+$0xFFFFFF70] =	vst v0  }
0x52: {  	[tilespmem:s1+$0xFFFFFF60] =	vst v0  }
0x53: {  	[tilespmem:s1+$0x60] =	vst v0  }
0x54: {  	[tilespmem:s1+$0x70] =	vst v0  }
0x55: {  	[tilespmem:s1+$0xF0] =	vst v0  }
0x56: {  	[tilespmem:s1+$0xE0] =	vst v0  }
0x57: {  	[tilespmem:s1+$0xD0] =	vst v0  }
0x58: {  	[tilespmem:s1+$0xC0] =	vst v0  }
0x59: {  	[tilespmem:s1+$0xB0] =	vst v0  }
0x5a: {  	[tilespmem:s1+$0xA0] =	vst v0  }
0x5b: {  	[tilespmem:s1+$0x90] =	vst v0  }
0x5c: {  	[tilespmem:s1+$0x80] =	vst v0  }
0x5d: {  	[tilespmem:s30+$0x30] =	vst v0  }
0x5e: {  	[tilespmem:s30+$0x20] =	vst v0  }
0x5f: {  	[tilespmem:s1+$0x50] =	vst v0  }
0x60: {  	[tilespmem:s1+$0x40] =	vst v0  }
0x61: {  	[tilespmem:s1+$0x30] =	vst v0  }
0x62: {  	[tilespmem:s1+$0x20] =	vst v0  }
0x63: {  	[tilespmem:s1+$0x10] =	vst v0  }
0x64: {  	[tilespmem:s1+$0x0] =	vst v0  }
0x65: {  	[tilespmem:s30+$0x0] =	vst v0  }
0x66: {  	[tilespmem:s30+$0x10] =	vst v0  }
0x67: {  	[tilespmem:s1+$0xFFFFFFF0] =	vst v0  }
0x68: {  	[tilespmem:s1+$0xFFFFFFE0] =	vst v0  }
0x69: {  	[tilespmem:s1+$0xFFFFFFD0] =	vst v0  }
0x6a: {  	[tilespmem:s1+$0xFFFFFFC0] =	vst v0  }
0x6b: {  	[tilespmem:s1+$0xFFFFFFB0] =	vst v0  }
0x6c: {  	[tilespmem:s1+$0xFFFFFFA0] =	vst v0  }
0x6d: {  	[tilespmem:s1+$0xFFFFFF90] =	vst v0  }
0x6e: {  	[tilespmem:s1+$0xFFFFFF80] =	vst v0  }
0x6f: {  	[tilespmem:s30+$0xFFFFFFF0] =	vst v0  }
0x70: {  	[tilespmem:s30+$0xFFFFFFE0] =	vst v0  }
.Ltmp2:
0x71: {  	[tilespmem:s1+$0xFFFFFF50] =	vst v0;
	(pc) =	sbr.rel @p0 .LBB2_2-.Ltmp2, $4  }
0x72: {  	[tilespmem:s1+$0xFFFFFF40] =	vst v0  }
0x73: {  	[tilespmem:s1+$0xFFFFFF30] =	vst v0  }
0x74: {  	[tilespmem:s1+$0xFFFFFF20] =	vst v0  }
0x75: {  	[tilespmem:s1+$0xFFFFFF10] =	vst v0  }
0x76: {  	[tilespmem:s3+$0xFFFFFFC0] =	vst v0  }
0x77: {  	[tilespmem:s3+$0xFFFFFFD0] =	vst v0  }
0x78: {  	[spmem:s8] =	stream.linear.scatter [tilespmem:s6], [sflag:$0x8], $0x2000, $0x38;
	[tilespmem:$0x1ED20] =	vst v63  }
0x79: {  	_ =	swait.ge [sflag:s15], $0x2000  }
0x7a: {  	[sflag:s15] =	ssyncset.done $0x0  }
0x7b: {  	[sflag:s15] =	ssyncadd.s32 $0xFFFFE000  }
0x7c: {  	[spmem:s9] =	stream.linear.scatter [tilespmem:s16], [sflag:$0x8], $0x800, $0x38;
	[tilespmem:$0x1ED20] =	vst v63  }
0x7d: {  	_ =	swait.ge [sflag:s15], $0x800  }
0x7e: {  	[sflag:s15] =	ssyncset.done $0x0  }
0x7f: {  	[sflag:s15] =	ssyncadd.s32 $0xFFFFF800  }
0x80: {  	s1 =	simm.s32 $0x19040;
	[bflag:$0x0] =	sbarrier.arrive $0xFFFF  }
0x81: {  	[tilespmem:s1+$0xFFFFFFC0] =	vst v0  }
0x82: {  	[tilespmem:s1+$0x30] =	vst v1  }
0x83: {  	[tilespmem:s1+$0x20] =	vst v0  }
0x84: {  	[tilespmem:s1+$0x10] =	vst v1  }
0x85: {  	[tilespmem:s1+$0x0] =	vst v0  }
0x86: {  	[tilespmem:s1+$0xFFFFFFF0] =	vst v1  }
0x87: {  	s3 =	simm.s32 $0x0;
	[tilespmem:s1+$0xFFFFFFE0] =	vst v0  }
.LBB2_4:
0x88: {  	s3 =	sadd.s32 $0x4, s3;
	[tilespmem:s1+$0xFFFFFFD0] =	vst v1;
	s1 =	sadd.s32 $0x80, s1  }
0x89: {  	[tilespmem:s1+$0xFFFFFFC0] =	vst v0;
	p0 =	slt.u32 s3, $0x18C  }
0x8a: {  	[tilespmem:s1+$0x30] =	vst v1  }
.Ltmp3:
0x8b: {  	[tilespmem:s1+$0x20] =	vst v0;
	(pc) =	sbr.rel @p0 .LBB2_4-.Ltmp3, $4  }
0x8c: {  	[tilespmem:s1+$0x10] =	vst v1  }
0x8d: {  	[tilespmem:s1+$0x0] =	vst v0  }
0x8e: {  	[tilespmem:s1+$0xFFFFFFF0] =	vst v1  }
0x8f: {  	[tilespmem:s1+$0xFFFFFFE0] =	vst v0  }
0x90: {  	[tilespmem:s1+$0xFFFFFFD0] =	vst v1  }
0x91: {  	s30 =	simm.s32 $0x0;
	s1 =	rddreg [dreg:$0x6]  }
0x92: {  	[tilespmem:s30], [sflag:$0x1] =	stream.linear.gather [hbm4b:s1+s30], $0xC800, $0x38;
	[tilespmem:$0x1ED20] =	vst v63  }
0x93: {  	_ = 	snop  }
0x94: {  	[tilespmem:s17], [sflag:$0x3] =	stream.linear.gather [hbm4b:s11+s30], $0x190, $0x38;
	[tilespmem:$0x1ED20] =	vst v63  }
.LBB2_6:
0x95: {  	_ =	swait.ge [sflag:s18], $0xC800  }
0x96: {  	[sflag:s18] =	ssyncset.done $0x0  }
0x97: {  	[sflag:s18] =	ssyncadd.s32 $0xFFFF3800  }
0x98: {  	_ =	swait.ge [sflag:s19], $0x190  }
0x99: {  	p0 =	seq.s32 s30, $0x0;
	[sflag:s19] =	ssyncset.done $0x0  }
0x9a: {  	s1 =	simm.s32 @!p0 $0x7;
	[sflag:s19] =	ssyncadd.s32 $0xFFFFFE70  }
0x9b: {  	_ =	swait.ge @!p0 [sflag:s1], $0x3200  }
0x9c: {  	[sflag:s1] =	ssyncset.done @!p0 $0x0  }
0x9d: {  	s10 =	simm.s32 $0x100;
	[sflag:s1] =	ssyncadd.s32 @!p0 $0xFFFFCE00  }
0x9e: {  	v2 =	vld [tilespmem:s10+$0x80]  }
0x9f: {  	v3 =	vld [tilespmem:s10+$0x90]  }
0xa0: {  	v4 =	vld [tilespmem:s10+$0xFFFFFF10]  }
0xa1: {  	v5 =	vld [tilespmem:s10+$0xA0]  }
0xa2: {  	v6 =	vld [tilespmem:s10+$0xFFFFFF80]  }
0xa3: {  	v7 =	vld [tilespmem:s10+$0xB0]  }
0xa4: {  	v8 =	vld [tilespmem:s10+$0xFFFFFF90]  }
0xa5: {  	v9 =	vld [tilespmem:s10+$0xC0]  }
0xa6: {  	v10 =	vld [tilespmem:s10+$0x0]  }
0xa7: {  	v11 =	vld [tilespmem:s10+$0xD0]  }
0xa8: {  	v12 =	vld [tilespmem:s10+$0x10]  }
0xa9: {  	v13 =	vld [tilespmem:s10+$0xE0]  }
0xaa: {  	v14 =	vld [tilespmem:s10+$0xFFFFFF00];
	v2 =	vmul.f32 v2, v2;
	v3 =	vmul.f32 v3, v3  }
0xab: {  	v15 =	vld [tilespmem:s10+$0xF0]  }
0xac: {  	v2 =	vadd.f32 v3, v2;
	v3 =	vmul.f32 v5, v5;
	v5 =	vld [tilespmem:s10+$0xFFFFFF20]  }
0xad: {  	v16 =	vld [tilespmem:s10+$0xFFFFFFA0]  }
0xae: {  	v4 =	vmul.f32 v4, v4;
	v2 =	vadd.f32 v3, v2;
	v3 =	vmul.f32 v7, v7;
	v7 =	vld [tilespmem:s10+$0x20]  }
0xaf: {  	v17 =	vld [tilespmem:s10+$0xFFFFFF30];
	v6 =	vmul.f32 v6, v6;
	v14 =	vmul.f32 v14, v14  }
0xb0: {  	v18 =	vld [tilespmem:s10+$0x30];
	v8 =	vmul.f32 v8, v8;
	v2 =	vadd.f32 v3, v2;
	v3 =	vmul.f32 v9, v9  }
0xb1: {  	v10 =	vmul.f32 v10, v10;
	v4 =	vadd.f32 v4, v14;
	v9 =	vld [tilespmem:s10+$0xFFFFFFB0];
	v5 =	vmul.f32 v5, v5  }
0xb2: {  	v58 =	vld [tilespmem:s10+$0xFFFFFF40];
	v2 =	vadd.f32 v3, v2;
	v3 =	vmul.f32 v11, v11;
	v11 =	vmul.f32 v12, v12  }
0xb3: {  	v6 =	vadd.f32 v8, v6;
	v8 =	vld [tilespmem:s10+$0xFFFFFFC0];
	v4 =	vadd.f32 v5, v4;
	v5 =	vmul.f32 v7, v7  }
0xb4: {  	v7 =	vld [tilespmem:s10+$0xFFFFFF50];
	v2 =	vadd.f32 v3, v2;
	v3 =	vadd.f32 v11, v10;
	v10 =	vmul.f32 v16, v16  }
0xb5: {  	v13 =	vmul.f32 v13, v13;
	v11 =	vld [tilespmem:s10+$0x40]  }
0xb6: {  	v59 =	vmul.f32 v17, v17;
	v9 =	vmul.f32 v9, v9;
	v6 =	vadd.f32 v10, v6;
	v10 =	vld [tilespmem:s10+$0xFFFFFFD0]  }
0xb7: {  	v60 =	vld [tilespmem:s10+$0x50];
	v13 =	vadd.f32 v13, v2;
	v2 =	vadd.f32 v5, v3;
	v3 =	vmul.f32 v18, v18  }
0xb8: {  	v4 =	vadd.f32 v59, v4;
	v5 =	vmul.f32 v58, v58;
	v6 =	vadd.f32 v9, v6;
	v9 =	vld [tilespmem:s10+$0xFFFFFF60]  }
0xb9: {  	v61 =	vmul.f32 v15, v15;
	v8 =	vmul.f32 v8, v8;
	v62 =	vadd.f32 v3, v2;
	v2 =	vld [tilespmem:s10+$0xFFFFFFE0]  }
0xba: {  	v5 =	vadd.f32 v5, v4;
	v7 =	vmul.f32 v7, v7;
	v3 =	vld [tilespmem:s10+$0x60];
	v11 =	vmul.f32 v11, v11  }
0xbb: {  	s1 =	smul.u32 $0x320, s30;
	v12 =	vadd.f32 v61, v13;
	v4 =	vld [tilespmem:s10+$0xFFFFFF70];
	v6 =	vadd.f32 v8, v6;
	v63 =	vmul.f32 v10, v10  }
0xbc: {  	s3 =	simm.s32 $0x19040;
	v7 =	vadd.f32 v7, v5;
	v5 =	vld [tilespmem:s10+$0xFFFFFFF0];
	v8 =	vadd.f32 v11, v62;
	v11 =	vmul.f32 v60, v60  }
0xbd: {  	s31 =	sadd.s32 s7, s1;
	s1 =	simm.s32 $0x0;
	[tilespmem:s3+$0x20] =	vst v12;
	v10 =	vmul.f32 v9, v9;
	v9 =	vadd.f32 v63, v6;
	v6 =	vld [tilespmem:s10+$0x70];
	s10 =	simm.s32 $0x300  }
.LBB2_7:
0xbe: {  	v12 =	vld [tilespmem:s10+$0x80];
	v2 =	vmul.f32 v2, v2;
	v8 =	vadd.f32 v11, v8  }
0xbf: {  	s1 =	sadd.s32 $0x4, s1;
	v11 =	vld [tilespmem:s10+$0x90];
	v7 =	vadd.f32 v10, v7;
	v3 =	vmul.f32 v3, v3  }
0xc0: {  	p1 =	slt.u32 s1, $0x18C;
	v10 =	vld [tilespmem:s10+$0xFFFFFF10];
	v4 =	vmul.f32 v4, v4;
	v2 =	vadd.f32 v2, v9  }
0xc1: {  	v9 =	vld [tilespmem:s10+$0xA0];
	v5 =	vmul.f32 v5, v5;
	v3 =	vadd.f32 v3, v8  }
0xc2: {  	v8 =	vld [tilespmem:s10+$0xFFFFFF80];
	v4 =	vadd.f32 v4, v7;
	v6 =	vmul.f32 v6, v6  }
0xc3: {  	v7 =	vld [tilespmem:s10+$0xB0];
	v2 =	vadd.f32 v5, v2  }
0xc4: {  	v12 =	vmul.f32 v12, v12;
	v5 =	vld [tilespmem:s10+$0xFFFFFF90];
	v11 =	vmul.f32 v11, v11;
	[tilespmem:s3+$0xFFFFFFC0] =	vst v4;
	v3 =	vadd.f32 v6, v3  }
0xc5: {  	v4 =	vmul.f32 v10, v10;
	v6 =	vld [tilespmem:s10+$0xC0];
	[tilespmem:s3+$0xFFFFFFE0] =	vst v2  }
0xc6: {  	v2 =	vld [tilespmem:s10+$0x0];
	v10 =	vadd.f32 v11, v12;
	v9 =	vmul.f32 v9, v9;
	[tilespmem:s3+$0x0] =	vst v3  }
0xc7: {  	v3 =	vmul.f32 v8, v8;
	v8 =	vld [tilespmem:s10+$0xD0]  }
0xc8: {  	v11 =	vld [tilespmem:s10+$0x10];
	v9 =	vadd.f32 v9, v10;
	v7 =	vmul.f32 v7, v7  }
0xc9: {  	v5 =	vmul.f32 v5, v5;
	v10 =	vld [tilespmem:s10+$0xE0]  }
0xca: {  	v12 =	vld [tilespmem:s10+$0xFFFFFF00];
	v7 =	vadd.f32 v7, v9;
	v6 =	vmul.f32 v6, v6  }
0xcb: {  	v3 =	vadd.f32 v5, v3;
	v2 =	vmul.f32 v2, v2;
	v5 =	vld [tilespmem:s10+$0xF0]  }
0xcc: {  	v9 =	vld [tilespmem:s10+$0xFFFFFF20];
	v6 =	vadd.f32 v6, v7;
	v7 =	vmul.f32 v8, v8  }
0xcd: {  	v8 =	vld [tilespmem:s10+$0xFFFFFFA0];
	v11 =	vmul.f32 v11, v11  }
0xce: {  	v13 =	vld [tilespmem:s10+$0x20];
	v6 =	vadd.f32 v7, v6;
	v7 =	vmul.f32 v10, v10  }
0xcf: {  	v10 =	vmul.f32 v12, v12;
	v12 =	vld [tilespmem:s10+$0xFFFFFF30];
	v2 =	vadd.f32 v11, v2  }
0xd0: {  	v11 =	vld [tilespmem:s10+$0xFFFFFFB0];
	v6 =	vadd.f32 v7, v6;
	v5 =	vmul.f32 v5, v5  }
0xd1: {  	v4 =	vadd.f32 v4, v10;
	v7 =	vmul.f32 v9, v9;
	v9 =	vld [tilespmem:s10+$0x30]  }
0xd2: {  	v10 =	vld [tilespmem:s10+$0xFFFFFF40];
	v8 =	vmul.f32 v8, v8;
	v5 =	vadd.f32 v5, v6  }
0xd3: {  	s3 =	sadd.s32 $0x80, s3;
	v4 =	vadd.f32 v7, v4;
	v6 =	vld [tilespmem:s10+$0xFFFFFFC0];
	v7 =	vmul.f32 v13, v13  }
0xd4: {  	v12 =	vmul.f32 v12, v12;
	v3 =	vadd.f32 v8, v3;
	v8 =	vld [tilespmem:s10+$0x40];
	[tilespmem:s3+$0x20] =	vst v5  }
0xd5: {  	v5 =	vld [tilespmem:s10+$0xFFFFFF50];
	v11 =	vmul.f32 v11, v11;
	v2 =	vadd.f32 v7, v2  }
0xd6: {  	v4 =	vadd.f32 v12, v4;
	v7 =	vld [tilespmem:s10+$0xFFFFFFD0];
	v9 =	vmul.f32 v9, v9  }
0xd7: {  	v10 =	vmul.f32 v10, v10;
	v3 =	vadd.f32 v11, v3;
	v11 =	vld [tilespmem:s10+$0x50]  }
0xd8: {  	v12 =	vld [tilespmem:s10+$0xFFFFFF60];
	v6 =	vmul.f32 v6, v6;
	v9 =	vadd.f32 v9, v2  }
.Ltmp4:
0xd9: {  	v10 =	vadd.f32 v10, v4;
	v2 =	vld [tilespmem:s10+$0xFFFFFFE0];
	v8 =	vmul.f32 v8, v8;
	(pc) =	sbr.rel @p1 .LBB2_7-.Ltmp4, $4  }
0xda: {  	v5 =	vmul.f32 v5, v5;
	v6 =	vadd.f32 v6, v3;
	v3 =	vld [tilespmem:s10+$0x60]  }
0xdb: {  	v4 =	vld [tilespmem:s10+$0xFFFFFF70];
	v13 =	vmul.f32 v7, v7;
	v8 =	vadd.f32 v8, v9  }
0xdc: {  	v7 =	vadd.f32 v5, v10;
	v5 =	vld [tilespmem:s10+$0xFFFFFFF0];
	v11 =	vmul.f32 v11, v11  }
0xdd: {  	v10 =	vmul.f32 v12, v12;
	v9 =	vadd.f32 v13, v6;
	v6 =	vld [tilespmem:s10+$0x70];
	s10 =	sadd.s32 $0x200, s10  }
0xde: {  	_ = 	snop  }
0xdf: {  	v2 =	vmul.f32 v2, v2;
	v8 =	vadd.f32 v11, v8  }
0xe0: {  	v7 =	vadd.f32 v10, v7;
	v3 =	vmul.f32 v3, v3;
	v4 =	vmul.f32 v4, v4  }
0xe1: {  	v2 =	vadd.f32 v2, v9;
	v5 =	vmul.f32 v5, v5  }
0xe2: {  	v3 =	vadd.f32 v3, v8;
	v4 =	vadd.f32 v4, v7;
	v6 =	vmul.f32 v6, v6  }
0xe3: {  	v2 =	vadd.f32 v5, v2  }
0xe4: {  	[tilespmem:s3+$0xFFFFFFC0] =	vst v4;
	v3 =	vadd.f32 v6, v3  }
.Ltmp5:
0xe5: {  	[tilespmem:s3+$0xFFFFFFE0] =	vst v2;
	(pc) =	sbr.rel @p0 .LBB2_11-.Ltmp5, $4  }
0xe6: {  	[tilespmem:s3+$0x0] =	vst v3  }
0xe7: {  	[spmem:s4] =	stream.indirect.scatter.add.f32 [tilespmem:s6], [sflag:$0x5], $0x80, s17, s20, $0xb8;
	[tilespmem:$0x1ED20] =	vst v63  }
0xe8: {  	_ = 	snop  }
0xe9: {  	[spmem:s5] =	stream.indirect.scatter.add.f32 [tilespmem:s16], [sflag:$0x7], $0x20, s17, s20, $0xb8;
	[tilespmem:$0x1ED20] =	vst v63  }
0xea: {  	p0 =	seq.s32 s30, $0xC  }
.Ltmp6:
0xeb: {  	_ = 	snop;
	(pc) =	sbr.rel @p0 .LBB2_14-.Ltmp6, $1  }
0xec: {  	_ =	sdelay $0x3  }
0xed: {  	_ =	swait.ge [sflag:s28], $0xC800  }
0xee: {  	[sflag:s28] =	ssyncset.done $0x0  }
0xef: {  	[sflag:s28] =	ssyncadd.s32 $0xFFFF3800  }
.LBB2_11:
0xf0: {  	s1 =	sadd.s32 $0x190, s31  }
0xf1: {  	s3 =	sshll.u32 s1, $0x4  }
0xf2: {  	s3 =	sand.u32 $0x1FFFFF00, s3  }
0xf3: {  	s1 =	sshrl.u32 s1, $0x3;
	s3 =	sadd.s32 s0, s3  }
0xf4: {  	[tilespmem:s21], [sflag:$0x2] =	stream.linear.gather [hbm4b:s3+s6], $0xC800, $0x38;
	[tilespmem:$0x1ED20] =	vst v63  }
0xf5: {  	s1 =	sadd.s32 s2, s1  }
0xf6: {  	[tilespmem:s22], [sflag:$0x4] =	stream.linear.gather [hbm4b:s1+s6], $0x190, $0x38;
	[tilespmem:$0x1ED20] =	vst v63  }
0xf7: {  	_ =	swait.ge [sflag:s23], $0xC800  }
0xf8: {  	[sflag:s23] =	ssyncset.done $0x0  }
0xf9: {  	[sflag:s23] =	ssyncadd.s32 $0xFFFF3800  }
0xfa: {  	_ =	swait.ge [sflag:s24], $0x190  }
0xfb: {  	[sflag:s24] =	ssyncset.done $0x0  }
0xfc: {  	[sflag:s24] =	ssyncadd.s32 $0xFFFFFE70  }
0xfd: {  	_ =	swait.ge [sflag:s25], $0x3200  }
0xfe: {  	[sflag:s25] =	ssyncset.done $0x0  }
0xff: {  	s10 =	simm.s32 $0xC900;
	[sflag:s25] =	ssyncadd.s32 $0xFFFFCE00  }
0x100: {  	v2 =	vld [tilespmem:s10+$0x80]  }
0x101: {  	v3 =	vld [tilespmem:s10+$0x90]  }
0x102: {  	v4 =	vld [tilespmem:s10+$0xFFFFFF10]  }
0x103: {  	v5 =	vld [tilespmem:s10+$0xA0]  }
0x104: {  	v6 =	vld [tilespmem:s10+$0xFFFFFF80]  }
0x105: {  	v7 =	vld [tilespmem:s10+$0xB0]  }
0x106: {  	v8 =	vld [tilespmem:s10+$0xFFFFFF90]  }
0x107: {  	v9 =	vld [tilespmem:s10+$0xC0]  }
0x108: {  	v10 =	vld [tilespmem:s10+$0x0]  }
0x109: {  	v11 =	vld [tilespmem:s10+$0xD0]  }
0x10a: {  	v12 =	vld [tilespmem:s10+$0x10]  }
0x10b: {  	v13 =	vld [tilespmem:s10+$0xE0]  }
0x10c: {  	v14 =	vld [tilespmem:s10+$0xFFFFFF00];
	v2 =	vmul.f32 v2, v2;
	v3 =	vmul.f32 v3, v3  }
0x10d: {  	v15 =	vld [tilespmem:s10+$0xF0]  }
0x10e: {  	v2 =	vadd.f32 v3, v2;
	v3 =	vmul.f32 v5, v5;
	v5 =	vld [tilespmem:s10+$0xFFFFFF20]  }
0x10f: {  	v16 =	vld [tilespmem:s10+$0xFFFFFFA0]  }
0x110: {  	v4 =	vmul.f32 v4, v4;
	v2 =	vadd.f32 v3, v2;
	v3 =	vmul.f32 v7, v7;
	v7 =	vld [tilespmem:s10+$0x20]  }
0x111: {  	v17 =	vld [tilespmem:s10+$0xFFFFFF30];
	v6 =	vmul.f32 v6, v6;
	v14 =	vmul.f32 v14, v14  }
0x112: {  	v18 =	vld [tilespmem:s10+$0x30];
	v8 =	vmul.f32 v8, v8;
	v2 =	vadd.f32 v3, v2;
	v3 =	vmul.f32 v9, v9  }
0x113: {  	v10 =	vmul.f32 v10, v10;
	v4 =	vadd.f32 v4, v14;
	v9 =	vld [tilespmem:s10+$0xFFFFFFB0];
	v5 =	vmul.f32 v5, v5  }
0x114: {  	v58 =	vld [tilespmem:s10+$0xFFFFFF40];
	v2 =	vadd.f32 v3, v2;
	v3 =	vmul.f32 v11, v11;
	v11 =	vmul.f32 v12, v12  }
0x115: {  	v6 =	vadd.f32 v8, v6;
	v8 =	vld [tilespmem:s10+$0xFFFFFFC0];
	v4 =	vadd.f32 v5, v4;
	v5 =	vmul.f32 v7, v7  }
0x116: {  	v7 =	vld [tilespmem:s10+$0xFFFFFF50];
	v2 =	vadd.f32 v3, v2;
	v3 =	vadd.f32 v11, v10;
	v10 =	vmul.f32 v16, v16  }
0x117: {  	v13 =	vmul.f32 v13, v13;
	v11 =	vld [tilespmem:s10+$0x40]  }
0x118: {  	v59 =	vmul.f32 v17, v17;
	v9 =	vmul.f32 v9, v9;
	v6 =	vadd.f32 v10, v6;
	v10 =	vld [tilespmem:s10+$0xFFFFFFD0]  }
0x119: {  	v60 =	vld [tilespmem:s10+$0x50];
	v13 =	vadd.f32 v13, v2;
	v2 =	vadd.f32 v5, v3;
	v3 =	vmul.f32 v18, v18  }
0x11a: {  	v4 =	vadd.f32 v59, v4;
	v5 =	vmul.f32 v58, v58;
	v6 =	vadd.f32 v9, v6;
	v9 =	vld [tilespmem:s10+$0xFFFFFF60]  }
0x11b: {  	v61 =	vmul.f32 v15, v15;
	v8 =	vmul.f32 v8, v8;
	v62 =	vadd.f32 v3, v2;
	v2 =	vld [tilespmem:s10+$0xFFFFFFE0]  }
0x11c: {  	v5 =	vadd.f32 v5, v4;
	v7 =	vmul.f32 v7, v7;
	v3 =	vld [tilespmem:s10+$0x60];
	v11 =	vmul.f32 v11, v11  }
0x11d: {  	v12 =	vadd.f32 v61, v13;
	v4 =	vld [tilespmem:s10+$0xFFFFFF70];
	v6 =	vadd.f32 v8, v6;
	v63 =	vmul.f32 v10, v10  }
0x11e: {  	s3 =	simm.s32 $0x19040;
	v7 =	vadd.f32 v7, v5;
	v5 =	vld [tilespmem:s10+$0xFFFFFFF0];
	v8 =	vadd.f32 v11, v62;
	v11 =	vmul.f32 v60, v60  }
0x11f: {  	s1 =	simm.s32 $0x0;
	[tilespmem:s3+$0x20] =	vst v12;
	v10 =	vmul.f32 v9, v9;
	v9 =	vadd.f32 v63, v6;
	v6 =	vld [tilespmem:s10+$0x70];
	s10 =	simm.s32 $0xCB00  }
.LBB2_12:
0x120: {  	v12 =	vld [tilespmem:s10+$0x80];
	v2 =	vmul.f32 v2, v2;
	v8 =	vadd.f32 v11, v8  }
0x121: {  	s1 =	sadd.s32 $0x4, s1;
	v11 =	vld [tilespmem:s10+$0x90];
	v7 =	vadd.f32 v10, v7;
	v3 =	vmul.f32 v3, v3  }
0x122: {  	p0 =	slt.u32 s1, $0x18C;
	v10 =	vld [tilespmem:s10+$0xFFFFFF10];
	v4 =	vmul.f32 v4, v4;
	v2 =	vadd.f32 v2, v9  }
0x123: {  	v9 =	vld [tilespmem:s10+$0xA0];
	v5 =	vmul.f32 v5, v5;
	v3 =	vadd.f32 v3, v8  }
0x124: {  	v8 =	vld [tilespmem:s10+$0xFFFFFF80];
	v4 =	vadd.f32 v4, v7;
	v6 =	vmul.f32 v6, v6  }
0x125: {  	v7 =	vld [tilespmem:s10+$0xB0];
	v2 =	vadd.f32 v5, v2  }
0x126: {  	v12 =	vmul.f32 v12, v12;
	v5 =	vld [tilespmem:s10+$0xFFFFFF90];
	v11 =	vmul.f32 v11, v11;
	[tilespmem:s3+$0xFFFFFFC0] =	vst v4;
	v3 =	vadd.f32 v6, v3  }
0x127: {  	v4 =	vmul.f32 v10, v10;
	v6 =	vld [tilespmem:s10+$0xC0];
	[tilespmem:s3+$0xFFFFFFE0] =	vst v2  }
0x128: {  	v2 =	vld [tilespmem:s10+$0x0];
	v10 =	vadd.f32 v11, v12;
	v9 =	vmul.f32 v9, v9;
	[tilespmem:s3+$0x0] =	vst v3  }
0x129: {  	v3 =	vmul.f32 v8, v8;
	v8 =	vld [tilespmem:s10+$0xD0]  }
0x12a: {  	v11 =	vld [tilespmem:s10+$0x10];
	v9 =	vadd.f32 v9, v10;
	v7 =	vmul.f32 v7, v7  }
0x12b: {  	v5 =	vmul.f32 v5, v5;
	v10 =	vld [tilespmem:s10+$0xE0]  }
0x12c: {  	v12 =	vld [tilespmem:s10+$0xFFFFFF00];
	v7 =	vadd.f32 v7, v9;
	v6 =	vmul.f32 v6, v6  }
0x12d: {  	v3 =	vadd.f32 v5, v3;
	v2 =	vmul.f32 v2, v2;
	v5 =	vld [tilespmem:s10+$0xF0]  }
0x12e: {  	v9 =	vld [tilespmem:s10+$0xFFFFFF20];
	v6 =	vadd.f32 v6, v7;
	v7 =	vmul.f32 v8, v8  }
0x12f: {  	v8 =	vld [tilespmem:s10+$0xFFFFFFA0];
	v11 =	vmul.f32 v11, v11  }
0x130: {  	v13 =	vld [tilespmem:s10+$0x20];
	v6 =	vadd.f32 v7, v6;
	v7 =	vmul.f32 v10, v10  }
0x131: {  	v10 =	vmul.f32 v12, v12;
	v12 =	vld [tilespmem:s10+$0xFFFFFF30];
	v2 =	vadd.f32 v11, v2  }
0x132: {  	v11 =	vld [tilespmem:s10+$0xFFFFFFB0];
	v6 =	vadd.f32 v7, v6;
	v5 =	vmul.f32 v5, v5  }
0x133: {  	v4 =	vadd.f32 v4, v10;
	v7 =	vmul.f32 v9, v9;
	v9 =	vld [tilespmem:s10+$0x30]  }
0x134: {  	v10 =	vld [tilespmem:s10+$0xFFFFFF40];
	v8 =	vmul.f32 v8, v8;
	v5 =	vadd.f32 v5, v6  }
0x135: {  	s3 =	sadd.s32 $0x80, s3;
	v4 =	vadd.f32 v7, v4;
	v6 =	vld [tilespmem:s10+$0xFFFFFFC0];
	v7 =	vmul.f32 v13, v13  }
0x136: {  	v12 =	vmul.f32 v12, v12;
	v3 =	vadd.f32 v8, v3;
	v8 =	vld [tilespmem:s10+$0x40];
	[tilespmem:s3+$0x20] =	vst v5  }
0x137: {  	v5 =	vld [tilespmem:s10+$0xFFFFFF50];
	v11 =	vmul.f32 v11, v11;
	v2 =	vadd.f32 v7, v2  }
0x138: {  	v4 =	vadd.f32 v12, v4;
	v7 =	vld [tilespmem:s10+$0xFFFFFFD0];
	v9 =	vmul.f32 v9, v9  }
0x139: {  	v10 =	vmul.f32 v10, v10;
	v3 =	vadd.f32 v11, v3;
	v11 =	vld [tilespmem:s10+$0x50]  }
0x13a: {  	v12 =	vld [tilespmem:s10+$0xFFFFFF60];
	v6 =	vmul.f32 v6, v6;
	v9 =	vadd.f32 v9, v2  }
.Ltmp7:
0x13b: {  	v10 =	vadd.f32 v10, v4;
	v2 =	vld [tilespmem:s10+$0xFFFFFFE0];
	v8 =	vmul.f32 v8, v8;
	(pc) =	sbr.rel @p0 .LBB2_12-.Ltmp7, $4  }
0x13c: {  	v5 =	vmul.f32 v5, v5;
	v6 =	vadd.f32 v6, v3;
	v3 =	vld [tilespmem:s10+$0x60]  }
0x13d: {  	v4 =	vld [tilespmem:s10+$0xFFFFFF70];
	v13 =	vmul.f32 v7, v7;
	v8 =	vadd.f32 v8, v9  }
0x13e: {  	v7 =	vadd.f32 v5, v10;
	v5 =	vld [tilespmem:s10+$0xFFFFFFF0];
	v11 =	vmul.f32 v11, v11  }
0x13f: {  	v10 =	vmul.f32 v12, v12;
	v9 =	vadd.f32 v13, v6;
	v6 =	vld [tilespmem:s10+$0x70];
	s10 =	sadd.s32 $0x200, s10  }
0x140: {  	_ = 	snop  }
0x141: {  	v2 =	vmul.f32 v2, v2;
	v8 =	vadd.f32 v11, v8  }
0x142: {  	v7 =	vadd.f32 v10, v7;
	v3 =	vmul.f32 v3, v3;
	v4 =	vmul.f32 v4, v4  }
0x143: {  	v2 =	vadd.f32 v2, v9;
	v5 =	vmul.f32 v5, v5  }
0x144: {  	v3 =	vadd.f32 v3, v8;
	v4 =	vadd.f32 v4, v7;
	v6 =	vmul.f32 v6, v6  }
0x145: {  	v2 =	vadd.f32 v5, v2  }
0x146: {  	[tilespmem:s3+$0xFFFFFFC0] =	vst v4;
	v3 =	vadd.f32 v6, v3  }
0x147: {  	[tilespmem:s3+$0xFFFFFFE0] =	vst v2  }
0x148: {  	[tilespmem:s3+$0x0] =	vst v3  }
0x149: {  	[spmem:s4] =	stream.indirect.scatter.add.f32 [tilespmem:s21], [sflag:$0x6], $0x80, s22, s20, $0xb8;
	[tilespmem:$0x1ED20] =	vst v63  }
0x14a: {  	s1 =	sadd.s32 $0x320, s31  }
0x14b: {  	[spmem:s5] =	stream.indirect.scatter.add.f32 [tilespmem:s16], [sflag:$0x7], $0x20, s22, s20, $0xb8;
	[tilespmem:$0x1ED20] =	vst v63  }
0x14c: {  	s31 =	sshll.u32 s1, $0x4;
	_ =	swait.ge [sflag:s26], $0xC800  }
.Ltmp8:
0x14d: {  	s3 =	sand.u32 $0x1FFFFF00, s31;
	[sflag:s26] =	ssyncset.done $0x0;
	(pc) =	sbr.rel .LBB2_6-.Ltmp8, $4  }
0x14e: {  	s1 =	sshrl.u32 s1, $0x3;
	s3 =	sadd.s32 s0, s3;
	[sflag:s26] =	ssyncadd.s32 $0xFFFF3800  }
0x14f: {  	[tilespmem:s6], [sflag:$0x1] =	stream.linear.gather [hbm4b:s3+s6], $0xC800, $0x38;
	[tilespmem:$0x1ED20] =	vst v63  }
0x150: {  	s30 =	sadd.s32 $0x1, s30;
	s1 =	sadd.s32 s2, s1  }
0x151: {  	[tilespmem:s17], [sflag:$0x3] =	stream.linear.gather [hbm4b:s1+s6], $0x190, $0x38;
	[tilespmem:$0x1ED20] =	vst v63  }
.LBB2_15:
0x152: {  	_ =	sfence.sel $0x180000  }
0x153: {  	[bflag:$0x0] =	sbarrier.arrive $0xFFFF  }
0x154: {  	_ =	strace $0x90000047  }
0x155: {  	s0 =	stileid.u32;
	[bflag:$0x2] =	sbarrier.arrive $0xFFFF  }
0x156: {  	p0 =	sne.s32 s0, $0x0;
	s0 =	rddreg [dreg:$0x5]  }
0x157: {  	s0 =	sadd.s32 @!p0 $0x100000, s0  }
0x158: {  	[sflag:s0] =	ssyncadd.tile.s32 @!p0 $0x1;
	_ =	shalt  }
.Lfunc_end2:
_tile_overlayer_lowered:
.L_overlay_start_2:
0x159: {  	(tag) =	ssettag $0x2  }
0x15a: {  	s0 =	rddreg [dreg:$0x0];
	s2 =	stileid.u32  }
0x15b: {  	s1 =	rddreg [dreg:$0x1];
	p0 =	sne.s32 s2, $0x0  }
0x15c: {  	s3 =	rddreg [dreg:$0x2];
	[bflag:$0x3] =	sbarrier.arrive $0xFFFF;
	s2 =	simm.s32 @!p0 $0x1C08  }
0x15d: {  	[timem:s3], [sflag:s2] =	dma.local @!p0 [hbm:s0], s1  }
0x15e: {  	s0 =	simm.s32 @!p0 $0x8  }
0x15f: {  	_ =	swait.ge @!p0 [sflag:s0], s1  }
0x160: {  	s1 =	ssub.s32 @!p0 $0x0, s1;
	[sflag:s0] =	ssyncset.done @!p0 $0x0  }
0x161: {  	[sflag:s0] =	ssyncadd.s32 @!p0 s1  }
0x162: {  	[bflag:$0x3] =	sbarrier.arrive $0xFFFF  }
0x163: {  	_ =	shalt  }

// kernel: kernel.7.cloned.1.call-start
scs
__scs_entry_jumppad:
0x0: {  	(pc) =	sbr.rel $0x88, $3  }
0x1: {  	(tag) =	ssettag $0x0;
	lr =	simm.s32 $0x1  }
0x2: {  	[smem:$0x3F9F] =	sst lr;
	_ =	strace $0xD0000000  }
0x3: {  	_ = 	snop  }
0x4: {  	_ = 	snop  }
0x5: {  	_ = 	snop  }
0x6: {  	_ = 	snop  }
0x7: {  	_ = 	snop  }
__scs_overlays_trampoline_lowered:
0x8: {  	[smem:$0x3FAE] =	sst s0  }
0x9: {  	[smem:$0x3FAF] =	sst s1  }
0xa: {  	[smem:$0x3FB0] =	sst s2  }
0xb: {  	[smem:$0x3FB1] =	sst s3  }
0xc: {  	[smem:$0x3FB2] =	sst s4  }
0xd: {  	[smem:$0x3FB3] =	sst s5  }
0xe: {  	[smem:$0x3FB4] =	sst s6  }
0xf: {  	[smem:$0x3FB5] =	sst s7  }
0x10: {  	[smem:$0x3FB6] =	sst s8  }
0x11: {  	[smem:$0x3FB7] =	sst s9;
	s0 =	simm.s32 @!p0 $0x0  }
0x12: {  	s1 =	sld [smem:$0x3F9D];
	s0 =	simm.s32 @p0 $0x1  }
0x13: {  	[smem:$0x3FB8] =	sst s0;
	s0 =	simm.s32 @!p1 $0x0  }
0x14: {  	s2 =	sld [smem:$0x3F9C];
	s0 =	simm.s32 @p1 $0x1  }
0x15: {  	[smem:$0x3FB9] =	sst s0;
	s0 =	simm.s32 @!p2 $0x0  }
0x16: {  	s3 =	sld [smem:$0x3FDB];
	s0 =	simm.s32 @p2 $0x1  }
0x17: {  	s4 =	simm.s32 $0x1BF5;
	[smem:$0x3FBB] =	sst s0  }
0x18: {  	s0 =	sld [smem:$0x3F9E];
	_ =	swait.ge [sflag:s4], $0x0  }
0x19: {  	s7 =	sld [smem:$0x3F9F]  }
0x1a: {  	s8 =	sadd.s32 $0xFFFFE003, lr  }
0x1b: {  	s9 =	sadd.s32 $0xFFFFFEF7, lr;
	s5 =	simm.s32 $0xFFFFFFFF;
	p2 =	slt.u32 s8, $0xFFFFF086  }
0x1c: {  	p1 =	slt.u32 s9, $0xF7A;
	s5 =	simm.s32 @!p2 $0x0  }
0x1d: {  	s5 =	simm.s32 @p1 $0x1;
	p0 =	seq.s32 s7, s2  }
0x1e: {  	s7 =	smul.u32 @!p0 $0xF7A, s2;
	p2 =	seq.s32 @!p0 s5, $0x0  }
0x1f: {  	s9 =	smul.u32 $0xF7A, s1;
	s8 =	simm.s32 @!p0 $0x1BF5;
	p2 =	por !p2, p0  }
0x20: {  	[sflag:s8] =	ssyncset.s32 @!p0 $0xFFFFF086;
	s6 =	sadd.s32 @!p0 s3, s7;
	s7 =	simm.s32 @!p0 $0x108  }
0x21: {  	s3 =	sadd.s32 s3, s9;
	s6 =	sadd.s32 @!p0 $0x88, s6;
	s7 =	simm.s32 @p2 $0x1082  }
0x22: {  	[simem:s7], [sflag:s8] =	dma.local @!p0 [hbm:s6], $0xF7A  }
0x23: {  	s9 =	sor.u32 $0xD0000000, s2;
	s6 =	simm.s32 $0x108;
	_ =	swait.ge @!p0 [sflag:s8], $0x0  }
0x24: {  	s3 =	sadd.s32 $0x88, s3;
	s6 =	simm.s32 @!p1 $0x1082;
	[sflag:s4] =	ssyncset.s32 $0xFFFFF086  }
0x25: {  	[simem:s6], [sflag:s4] =	dma.local [hbm:s3], $0xF7A  }
0x26: {  	[smem:$0x3F9F] =	sst s1;
	(tag) =	ssettag s2;
	_ =	strace s9  }
0x27: {  	s1 =	sld [smem:$0x3FAF]  }
0x28: {  	s2 =	sld [smem:$0x3FB0]  }
0x29: {  	s4 =	sld [smem:$0x3FB2]  }
0x2a: {  	p0 =	seq.s32 s5, $0x0;
	s5 =	sld [smem:$0x3FB3]  }
0x2b: {  	s6 =	sld [smem:$0x3FB4]  }
0x2c: {  	s7 =	sld [smem:$0x3FB5]  }
0x2d: {  	s3 =	simm.s32 $0x108;
	s8 =	sld [smem:$0x3FB6]  }
0x2e: {  	s3 =	simm.s32 @!p0 $0x1082;
	s9 =	sld [smem:$0x3FB7]  }
0x2f: {  	lr =	sadd.s32 s0, s3;
	s0 =	sld [smem:$0x3FAE]  }
0x30: {  	s3 =	sld [smem:$0x3FB1]  }
0x31: {  	[smem:$0x3FBA] =	sst s10  }
0x32: {  	s10 =	sld [smem:$0x3FB8];
	_ =	sdelay $0x3  }
0x33: {  	p0 =	seq.s32 s10, $0x1;
	s10 =	sld [smem:$0x3FBA];
	_ =	sdelay $0x3  }
0x34: {  	[smem:$0x3FBA] =	sst s10  }
0x35: {  	s10 =	sld [smem:$0x3FB9];
	_ =	sdelay $0x3  }
0x36: {  	p1 =	seq.s32 s10, $0x1;
	s10 =	sld [smem:$0x3FBA];
	_ =	sdelay $0x3  }
0x37: {  	[smem:$0x3FBA] =	sst s10  }
0x38: {  	s10 =	sld [smem:$0x3FBB]  }
0x39: {  	_ = 	snop;
	(pc) =	sbr.ind lr, $3  }
0x3a: {  	_ = 	snop  }
0x3b: {  	_ = 	snop  }
0x3c: {  	p2 =	seq.s32 s10, $0x1;
	s10 =	sld [smem:$0x3FBA]  }
0x3d: {  	_ =	shalt  }
0x3e: {  	_ =	shalt  }
0x3f: {  	_ =	shalt  }
0x40: {  	_ =	shalt  }
0x41: {  	_ =	shalt  }
0x42: {  	_ =	shalt  }
0x43: {  	_ =	shalt  }
0x44: {  	_ =	shalt  }
0x45: {  	_ =	shalt  }
0x46: {  	_ =	shalt  }
0x47: {  	_ =	shalt  }
0x48: {  	_ =	shalt  }
0x49: {  	_ =	shalt  }
0x4a: {  	_ =	shalt  }
0x4b: {  	_ =	shalt  }
0x4c: {  	_ =	shalt  }
0x4d: {  	_ =	shalt  }
0x4e: {  	_ =	shalt  }
0x4f: {  	_ =	shalt  }
0x50: {  	_ =	shalt  }
0x51: {  	_ =	shalt  }
0x52: {  	_ =	shalt  }
0x53: {  	_ =	shalt  }
0x54: {  	_ =	shalt  }
0x55: {  	_ =	shalt  }
0x56: {  	_ =	shalt  }
0x57: {  	_ =	shalt  }
0x58: {  	_ =	shalt  }
0x59: {  	_ =	shalt  }
0x5a: {  	_ =	shalt  }
0x5b: {  	_ =	shalt  }
0x5c: {  	_ =	shalt  }
0x5d: {  	_ =	shalt  }
0x5e: {  	_ =	shalt  }
0x5f: {  	_ =	shalt  }
0x60: {  	_ =	shalt  }
0x61: {  	_ =	shalt  }
0x62: {  	_ =	shalt  }
0x63: {  	_ =	shalt  }
0x64: {  	_ =	shalt  }
0x65: {  	_ =	shalt  }
0x66: {  	_ =	shalt  }
0x67: {  	_ =	shalt  }
0x68: {  	_ =	shalt  }
0x69: {  	_ =	shalt  }
0x6a: {  	_ =	shalt  }
0x6b: {  	_ =	shalt  }
0x6c: {  	_ =	shalt  }
0x6d: {  	_ =	shalt  }
0x6e: {  	_ =	shalt  }
0x6f: {  	_ =	shalt  }
0x70: {  	_ =	shalt  }
0x71: {  	_ =	shalt  }
0x72: {  	_ =	shalt  }
0x73: {  	_ =	shalt  }
0x74: {  	_ =	shalt  }
0x75: {  	_ =	shalt  }
0x76: {  	_ =	shalt  }
0x77: {  	_ =	shalt  }
0x78: {  	_ =	shalt  }
0x79: {  	_ =	shalt  }
0x7a: {  	_ =	shalt  }
0x7b: {  	_ =	shalt  }
0x7c: {  	_ =	shalt  }
0x7d: {  	_ =	shalt  }
0x7e: {  	_ =	shalt  }
0x7f: {  	_ =	shalt  }
0x80: {  	_ =	shalt  }
0x81: {  	_ =	shalt  }
0x82: {  	_ =	shalt  }
0x83: {  	_ =	shalt  }
0x84: {  	_ =	shalt  }
0x85: {  	_ =	shalt  }
0x86: {  	_ =	shalt  }
0x87: {  	_ =	shalt  }
.Lfunc_end0:
.L_simem_size_0:
called_computation.1_lowered:
.L_overlay_start_0:
0x88: {  	s2 =	sld [smem:$0x3FD9]  }
0x89: {  	s3 =	sld [smem:$0x3FFE];
	_ =	sdelay $0x1  }
0x8a: {  	s1 =	srdreg.scid  }
0x8b: {  	s0 =	sand.u32 $0x1, s1  }
0x8c: {  	s17 =	sshll.u32 s0, $0xA;
	s2 =	sadd.s32 s3, s2  }
0x8d: {  	s2 =	sadd.s32 s2, s17  }
0x8e: {  	[smem:$0x3FC6] =	sst s2  }
0x8f: {  	_ = 	snop  }
0x90: {  	s2 =	sld [smem:$0x3FD0];
	(tm) =	ssettm $0x1  }
0x91: {  	s18 =	sld [smem:$0x3FFB];
	_ =	sdelay $0x3  }
0x92: {  	_ =	strace s18  }
0x93: {  	s3 =	sld [smem:$0x3FFC];
	_ =	sdelay $0x3  }
0x94: {  	_ =	strace s3  }
0x95: {  	s3 =	sld [smem:$0x3FFD];
	_ =	sdelay $0x3  }
0x96: {  	_ =	strace s3  }
0x97: {  	_ =	strace $0x8FFFFFFF  }
0x98: {  	s19 =	sld [smem:$0x3FDB];
	_ =	sdelay $0x1  }
0x99: {  	s4 =	simm.s32 $_scs_section_size  }
0x9a: {  	s5 =	simm.s32 $_size__tile_overlayer_lowered;
	s6 =	simm.s32 $_tile_overlayer_lowered  }
0x9b: {  	s22 =	simm.s32 $0x1BFF;
	s21 =	sshll.u32 s6, $0x1;
	s3 =	sadd.s32 s4, s19  }
0x9c: {  	s7 =	simm.s32 $0x0;
	s20 =	sshll.u32 s5, $0x1;
	s5 =	sadd.s32 s21, s3  }
0x9d: {  	[timem:s7], [sflag:s22] =	dma.local [hbm:s5], s20  }
0x9e: {  	_ =	swait.ge [sflag:s22], s20  }
0x9f: {  	s4 =	ssub.s32 $0x0, s20;
	[sflag:s22] =	ssyncset.done $0x0  }
0xa0: {  	[sflag:s22] =	ssyncadd.s32 s4;
	_ =	sdelay $0x1  }
0xa1: {  	s23 =	simm.s32 $0x1B8B  }
0xa2: {  	_ =	swait.ge [sflag:s23], $0x1  }
0xa3: {  	[sflag:s23] =	ssyncset.done $0x0  }
0xa4: {  	s25 =	simm.s32 $0x1B8E;
	s24 =	sld [smem:$0x3FFE];
	[sflag:s23] =	ssyncadd.s32 $0xFFFFFFFF  }
0xa5: {  	s26 =	simm.s32 $execute0_lowered;
	[smem:$0x3FD2] =	sst s25  }
0xa6: {  	s5 =	sshll.u32 s26, $0x1;
	_ =	strace $0x80000049;
	[dreg:$0x1] =	wrdreg $0xFFFFFFFF  }
0xa7: {  	s28 =	simm.s32 $_size_execute0_lowered;
	s3 =	sadd.s32 s3, s5;
	[dreg:$0x0] =	wrdreg $0x0  }
0xa8: {  	s5 =	sshll.u32 s28, $0x1;
	[dreg:$0x2] =	wrdreg s3  }
0xa9: {  	[dreg:$0x3] =	wrdreg s5  }
0xaa: {  	[dreg:$0x4] =	wrdreg $0xC0  }
0xab: {  	_ =	task [dreg:s7], $0x5FFFF  }
0xac: {  	[dreg:$0x1] =	wrdreg $0xFFFFFFFF  }
0xad: {  	[dreg:$0x0] =	wrdreg $0x60  }
0xae: {  	[dreg:$0x2] =	wrdreg s24  }
0xaf: {  	[dreg:$0x3] =	wrdreg s2  }
0xb0: {  	[dreg:$0x4] =	wrdreg $0x58900  }
0xb1: {  	[dreg:$0x5] =	wrdreg $0x9  }
0xb2: {  	_ =	task.clear_ibuf [dreg:s7], $0x6FFFF;
	_ =	strace $0x90000049  }
0xb3: {  	s29 =	simm.s32 $0x9;
	_ =	strace $0x8000004B  }
0xb4: {  	_ =	swait.ge [sflag:s29], $0x1  }
0xb5: {  	[sflag:s29] =	ssyncadd.s32 $0xFFFFFFFF  }
0xb6: {  	_ =	strace $0x9000004B  }
0xb7: {  	_ =	sfence  }
0xb8: {  	s30 =	sld [smem:$0x0];
	_ =	sdelay $0x2  }
0xb9: {  	s31 =	sshll.u32 s1, $0xD;
	s1 =	sshrl.u32 s1, $0x2  }
0xba: {  	s3 =	sand.u32 $0x4000, s31;
	s1 =	sadd.s32 s1, s30  }
0xbb: {  	s0 =	sor.u32 s3, s0;
	s1 =	sshll.u32 s1, $0x11  }
0xbc: {  	s0 =	sor.u32 s1, s0  }
0xbd: {  	s0 =	sadd.s32 $0x8F2B, s0  }
0xbe: {  	[sflag:s0] =	ssyncadd.remote.s32 $0x1  }
0xbf: {  	_ =	sfence.sel $0xFFFF  }
0xc0: {  	[dreg:$0x0] =	wrdreg $0xFFFFFFFF;
	(pc) =	sbr.abs _section_cstart, $3  }
0xc1: {  	[dreg:$0x1] =	wrdreg $0xFFFFFFFF  }
0xc2: {  	_ =	task.clear_ibuf [dreg:s7], $0x2FFFF;
	_ =	strace $0x9FFFFFFF  }
0xc3: {  	(tm) =	ssettm $0x7FFFFFFF  }
tec
execute0_lowered:
.L_overlay_start_1:
0x0: {  	(tag) =	ssettag $0x1  }
0x1: {  	s2 =	srdreg.scid  }
0x2: {  	s2 =	sand.u32 $0x1, s2  }
0x3: {  	p0 =	seq.s32 s2, $0x1  }
.Ltmp0:
0x4: {  	s5 =	rddreg [dreg:$0x0];
	(pc) =	sbr.rel @p0 .LBB2_5-.Ltmp0, $4  }
0x5: {  	s1 =	rddreg [dreg:$0x1]  }
0x6: {  	s3 =	rddreg [dreg:$0x2];
	s4 =	simm.s32 $0x0  }
0x7: {  	[smem:$0x7FF] =	sst s4  }
0x8: {  	s0 =	rddreg [dreg:$0x3];
	_ =	strace $0x8000004A;
	s2 =	stileid.u32  }
0x9: {  	s6 =	sadd.s32 $0xC00, s5;
	s7 =	sshll.u32 s2, $0xA  }
0xa: {  	s22 =	simm.s32 $0x1;
	s6 =	sadd.s32 s6, s7  }
0xb: {  	[tilespmem:s4], [sflag:$0x1] =	stream.linear.gather [hbm4b:s6+s4], $0x2000, $0x38;
	[tilespmem:$0x5910] =	vst v63  }
0xc: {  	_ =	swait.ge [sflag:s22], $0x2000  }
0xd: {  	[sflag:s22] =	ssyncset.done $0x0  }
0xe: {  	s8 =	simm.s32 $0x2000;
	s6 =	sadd.s32 $0x4000, s6;
	[sflag:s22] =	ssyncadd.s32 $0xFFFFE000  }
0xf: {  	[tilespmem:s8], [sflag:$0x1] =	stream.linear.gather [hbm4b:s6+s4], $0x2000, $0x38;
	[tilespmem:$0x5910] =	vst v63  }
0x10: {  	_ =	swait.ge [sflag:s22], $0x2000  }
0x11: {  	s23 =	sadd.s32 $0x8C00, s5;
	s24 =	sshll.u32 s2, $0x8;
	[sflag:s22] =	ssyncset.done $0x0  }
0x12: {  	s25 =	simm.s32 $0x4000;
	s5 =	sadd.s32 s23, s24;
	[sflag:s22] =	ssyncadd.s32 $0xFFFFE000  }
0x13: {  	[tilespmem:s25], [sflag:$0x1] =	stream.linear.gather [hbm4b:s5+s4], $0x800, $0x38;
	[tilespmem:$0x5910] =	vst v63  }
0x14: {  	_ =	swait.ge [sflag:s22], $0x800  }
0x15: {  	[sflag:s22] =	ssyncset.done $0x0  }
0x16: {  	s26 =	simm.s32 $0x4800;
	s5 =	sadd.s32 $0x1000, s5;
	[sflag:s22] =	ssyncadd.s32 $0xFFFFF800  }
0x17: {  	[tilespmem:s26], [sflag:$0x1] =	stream.linear.gather [hbm4b:s5+s4], $0x800, $0x38;
	[tilespmem:$0x5910] =	vst v63  }
0x18: {  	_ =	swait.ge [sflag:s22], $0x800  }
0x19: {  	[sflag:s22] =	ssyncset.done $0x0  }
0x1a: {  	s28 =	simm.s32 $0x0;
	[sflag:s22] =	ssyncadd.s32 $0xFFFFF800  }
0x1b: {  	v0 =	vld [tilespmem:s28+$0x4010]  }
0x1c: {  	v1 =	vld [tilespmem:s28+$0x4810];
	_ =	sdelay $0x3  }
0x1d: {  	(v2sf) =	vpush v0, $0x0  }
0x1e: {  	(v2sf) =	vpush v1, $0x0  }
0x1f: {  	s30 =	simm.s32 $0x2040  }
0x20: {  	s29 =	simm.s32 $0x40;
	v2 =	vld [tilespmem:s30+$0xFFFFFFF0]  }
0x21: {  	v3 =	vld [tilespmem:s29+$0xFFFFFFC0]  }
0x22: {  	v4 =	vld [tilespmem:s30+$0xFFFFFFC0]  }
0x23: {  	v5 =	vld [tilespmem:s29+$0xFFFFFFD0]  }
0x24: {  	v6 =	vld [tilespmem:s30+$0xFFFFFFD0]  }
0x25: {  	v7 =	vld [tilespmem:s29+$0xFFFFFFE0]  }
0x26: {  	s6 =	simm.s32 $0x20;
	v8 =	vld [tilespmem:s30+$0xFFFFFFE0]  }
0x27: {  	v9 =	vld [tilespmem:s6+$0x4010]  }
0x28: {  	v10 =	vld [tilespmem:s30+$0x0]  }
0x29: {  	v1 =	vld [tilespmem:s29+$0xFFFFFFF0]  }
0x2a: {  	v0 =	vld [tilespmem:s29+$0x0]  }
0x2b: {  	v3 =	vadd.f32 v4, v3;
	v4 =	vld [tilespmem:s6+$0x4810];
	v5 =	vadd.f32 v6, v5  }
0x2c: {  	s9 =	spop (v2sf)  }
0x2d: {  	v6 =	vld [tilespmem:s29+$0x10];
	v7 =	vadd.f32 v8, v7;
	v3 =	vmul.f32 v3, v3;
	v5 =	vmul.f32 v5, v5;
	s10 =	spop (v2sf)  }
0x2e: {  	v8 =	vld [tilespmem:s30+$0x10];
	v1 =	vadd.f32 v2, v1;
	s9 =	sadd.f32 s10, s9  }
0x2f: {  	v2 =	vadd.f32 v5, v3;
	v3 =	vmul.f32 v7, v7;
	v5 =	vld [tilespmem:s29+$0x20];
	(v2sf) =	vpush v9, $0x0  }
0x30: {  	v0 =	vadd.f32 v10, v0;
	(v2sf) =	vpush v4, $0x0;
	v4 =	vld [tilespmem:s30+$0x20];
	p0 =	sgt.f32 s9, $0.0e+00  }
0x31: {  	v7 =	vld [tilespmem:s30+$0x30];
	v2 =	vadd.f32 v3, v2;
	v1 =	vmul.f32 v1, v1  }
0x32: {  	v0 =	vmul.f32 v0, v0;
	v9 =	vld [tilespmem:s29+$0x30];
	s9 =	simm.s32 @!p0 $0x3F800000  }
0x33: {  	v3 =	vadd.f32 v8, v6;
	v10 =	vadd.f32 v1, v2;
	v8 =	vmov s9  }
0x34: {  	(erf) = vrcp.f32 v8  }
0x35: {  	v0 =	vadd.f32 v0, v10;
	v4 =	vadd.f32 v4, v5;
	v8 =	vmul.f32 v3, v3  }
0x36: {  	v11 =	vld [tilespmem:s28+$0x4800]  }
0x37: {  	v6 =	vld [tilespmem:s28+$0x4000];
	v5 =	vadd.f32 v7, v9;
	v4 =	vmul.f32 v4, v4;
	v0 =	vadd.f32 v8, v0;
	_ =	sdelay $0x1  }
0x38: {  	s13 =	simm.s32 $0xC0;
	v0 =	vadd.f32 v4, v0;
	v4 =	vmul.f32 v5, v5  }
0x39: {  	s14 =	simm.s32 $0x20C0;
	v12 =	vld [tilespmem:s13+$0xFFFFFFD0];
	s15 =	smul.f32 $1.280000000e+02, s9  }
0x3a: {  	v13 =	vld [tilespmem:s14+$0xFFFFFFD0]  }
0x3b: {  	v1 =	vld [tilespmem:s13+$0x0];
	v14 =	vadd.f32 v11, v6;
	v11 =	vmov s15  }
0x3c: {  	v2 =	vld [tilespmem:s13+$0xFFFFFFF0];
	v0 =	vadd.f32 v4, v0;
	v4 =	vpop (erf);
	(erf) = vrcp.f32 v11  }
0x3d: {  	v10 =	vld [tilespmem:s14+$0xFFFFFFC0]  }
0x3e: {  	v9 =	vld [tilespmem:s13+$0xFFFFFFC0]  }
0x3f: {  	v7 =	vld [tilespmem:s14+$0xFFFFFFE0]  }
0x40: {  	s31 =	sshll.u32 s2, $0x7;
	s11 =	simm.f32 $0.0e+00;
	v3 =	vld [tilespmem:s14+$0xFFFFFFF0]  }
0x41: {  	s12 =	simm.s32 $0x40;
	s17 =	simm.f32 $1.000000000e+00;
	s7 =	sshll.u32 s2, $0xD;
	v5 =	vld [tilespmem:s13+$0xFFFFFFE0]  }
0x42: {  	s8 =	simm.f32 $1.000000000e+00;
	s5 =	sadd.s32 s31, s3;
	s10 =	simm.s32 $0x100;
	v8 =	vld [tilespmem:s12+$0x4010];
	v4 =	vmul.f32 v4, v0  }
0x43: {  	v6 =	vld [tilespmem:s14+$0x0];
	s17 =	simm.s32 @!p0 $0x0;
	s9 =	simm.s32 $0x80;
	v10 =	vadd.f32 v10, v9;
	s16 =	spop (v2sf)  }
0x44: {  	s11 =	sadd.f32 s17, s11;
	s15 =	simm.s32 $0x180;
	v9 =	vld [tilespmem:s12+$0x4810];
	s17 =	spop (v2sf);
	v11 =	vadd.f32 v13, v12;
	v0 =	vimm.f32 $0.0e+00;
	v4 =	vsub.f32 v14, v4  }
.LBB2_2:
0x45: {  	p1 =	sne.s32 s15, $0x1F80;
	v10 =	vmul.f32 v10, v10;
	v12 =	vld [tilespmem:s13+$0x10];
	v13 =	vpop (erf)  }
0x46: {  	s16 =	sadd.f32 s17, s16;
	v11 =	vmul.f32 v11, v11;
	v5 =	vadd.f32 v7, v5;
	v7 =	vld [tilespmem:s14+$0x10];
	v4 =	vmul.f32 v4, v13  }
0x47: {  	v2 =	vadd.f32 v3, v2;
	s17 =	sadd.s32 s4, s7;
	s4 =	smov.u32 s9;
	s9 =	smov.u32 s10;
	(v2sf) =	vpush v8, $0x0;
	v8 =	vld [tilespmem:s13+$0x30]  }
0x48: {  	s10 =	smov.u32 s15;
	p2 =	sne.s32 s17, $0x0;
	v3 =	vadd.f32 v11, v10;
	v5 =	vmul.f32 v5, v5;
	v10 =	vld [tilespmem:s13+$0x20];
	v4 =	vpsel !p0, $0x0, v4;
	p0 =	sgt.f32 s16, $0.0e+00  }
0x49: {  	s17 =	simm.f32 $1.000000000e+00;
	v1 =	vadd.f32 v6, v1;
	(v2sf) =	vpush v9, $0x0;
	v6 =	vld [tilespmem:s14+$0x20];
	v4 =	vpsel !p2, $0x0, v4  }
0x4a: {  	v2 =	vmul.f32 v2, v2;
	v3 =	vadd.f32 v5, v3;
	v5 =	vld [tilespmem:s14+$0x30];
	s16 =	simm.s32 @!p0 $0x3F800000;
	s17 =	simm.s32 @!p0 $0x0;
	v0 =	vadd.f32 v4, v0  }
0x4b: {  	v4 =	vadd.f32 v7, v12;
	v9 =	vld [tilespmem:s6+$0x4000];
	v7 =	vmov s16;
	s11 =	sadd.f32 s17, s11  }
0x4c: {  	s13 =	sadd.s32 $0x80, s13;
	v11 =	vmul.f32 v1, v1;
	v3 =	vadd.f32 v2, v3;
	v12 =	vld [tilespmem:s6+$0x4800];
	(erf) = vrcp.f32 v7;
	s6 =	smov.u32 s12  }
0x4d: {  	s12 =	smul.f32 $1.280000000e+02, s16;
	v1 =	vld [tilespmem:s13+$0x0]  }
0x4e: {  	s14 =	sadd.s32 $0x80, s14;
	v4 =	vmul.f32 v4, v4;
	v2 =	vld [tilespmem:s13+$0xFFFFFFF0];
	v7 =	vadd.f32 v11, v3;
	v6 =	vadd.f32 v6, v10  }
0x4f: {  	v3 =	vld [tilespmem:s14+$0xFFFFFFF0];
	v5 =	vadd.f32 v5, v8;
	v8 =	vmov s12  }
0x50: {  	v10 =	vld [tilespmem:s13+$0xFFFFFFC0];
	v4 =	vadd.f32 v4, v7;
	v6 =	vmul.f32 v6, v6;
	(erf) = vrcp.f32 v8  }
0x51: {  	v11 =	vld [tilespmem:s14+$0xFFFFFFC0]  }
0x52: {  	v8 =	vmul.f32 v5, v5;
	v13 =	vld [tilespmem:s13+$0xFFFFFFD0];
	v4 =	vadd.f32 v6, v4  }
0x53: {  	v14 =	vld [tilespmem:s14+$0xFFFFFFD0]  }
.Ltmp1:
0x54: {  	v5 =	vld [tilespmem:s13+$0xFFFFFFE0];
	v4 =	vadd.f32 v8, v4;
	(pc) =	sbr.rel @p1 .LBB2_2-.Ltmp1, $4  }
0x55: {  	s12 =	sshra.s32 s15, $0x2;
	v7 =	vld [tilespmem:s14+$0xFFFFFFE0];
	v6 =	vpop (erf)  }
0x56: {  	v12 =	vadd.f32 v12, v9;
	v8 =	vld [tilespmem:s12+$0x4010];
	s16 =	spop (v2sf);
	v4 =	vmul.f32 v6, v4  }
0x57: {  	v10 =	vadd.f32 v11, v10;
	v6 =	vld [tilespmem:s14+$0x0]  }
0x58: {  	s15 =	sadd.s32 $0x80, s15;
	v9 =	vld [tilespmem:s12+$0x4810];
	v11 =	vadd.f32 v14, v13;
	s17 =	spop (v2sf);
	v4 =	vsub.f32 v12, v4  }
0x59: {  	_ = 	snop  }
0x5a: {  	v12 =	vld [tilespmem:s13+$0x10]  }
0x5b: {  	v25 =	vld [tilespmem:s14+$0x10]  }
0x5c: {  	v26 =	vld [tilespmem:s13+$0x30];
	(v2sf) =	vpush v8, $0x0  }
0x5d: {  	v13 =	vld [tilespmem:s13+$0x20];
	(v2sf) =	vpush v9, $0x0  }
0x5e: {  	v14 =	vld [tilespmem:s14+$0x20]  }
0x5f: {  	v15 =	vld [tilespmem:s14+$0x30];
	s23 =	sadd.s32 $0x80, s13  }
0x60: {  	v16 =	vld [tilespmem:s23+$0xFFFFFFF0]  }
0x61: {  	s24 =	sadd.s32 $0x80, s14;
	v17 =	vld [tilespmem:s23+$0xFFFFFFC0]  }
0x62: {  	v18 =	vld [tilespmem:s24+$0xFFFFFFC0]  }
0x63: {  	v19 =	vld [tilespmem:s23+$0xFFFFFFD0]  }
0x64: {  	v27 =	vld [tilespmem:s24+$0xFFFFFFD0]  }
0x65: {  	v20 =	vld [tilespmem:s23+$0xFFFFFFE0]  }
0x66: {  	v10 =	vmul.f32 v10, v10;
	v11 =	vmul.f32 v11, v11;
	v5 =	vadd.f32 v7, v5;
	v29 =	vld [tilespmem:s24+$0xFFFFFFE0]  }
0x67: {  	s15 =	sadd.f32 s17, s16;
	v30 =	vld [tilespmem:s24+$0xFFFFFFF0]  }
0x68: {  	v32 =	vld [tilespmem:s23+$0x0];
	v28 =	vadd.f32 v11, v10;
	v5 =	vmul.f32 v5, v5  }
0x69: {  	v2 =	vadd.f32 v3, v2;
	v35 =	vld [tilespmem:s24+$0x0];
	p1 =	sgt.f32 s15, $0.0e+00;
	v1 =	vadd.f32 v6, v1  }
0x6a: {  	v36 =	vld [tilespmem:s23+$0x10];
	v3 =	vadd.f32 v5, v28;
	v31 =	vadd.f32 v25, v12  }
0x6b: {  	v37 =	vld [tilespmem:s24+$0x10];
	v2 =	vmul.f32 v2, v2;
	s15 =	simm.s32 @!p1 $0x3F800000;
	v33 =	vadd.f32 v18, v17;
	v7 =	vadd.f32 v27, v19;
	s25 =	spop (v2sf)  }
0x6c: {  	v40 =	vld [tilespmem:s23+$0x30];
	v34 =	vmov s15;
	v1 =	vmul.f32 v1, v1;
	v13 =	vadd.f32 v14, v13;
	s26 =	spop (v2sf)  }
0x6d: {  	v42 =	vld [tilespmem:s23+$0x20];
	v10 =	vadd.f32 v29, v20;
	v11 =	vmul.f32 v33, v33;
	v7 =	vmul.f32 v7, v7;
	s16 =	sadd.f32 s26, s25  }
0x6e: {  	v43 =	vld [tilespmem:s24+$0x20];
	s15 =	smul.f32 $1.280000000e+02, s15;
	v47 =	vadd.f32 v15, v26;
	(erf) = vrcp.f32 v34;
	v39 =	vadd.f32 v30, v16  }
0x6f: {  	v44 =	vld [tilespmem:s24+$0x30];
	v8 =	vadd.f32 v35, v32;
	v10 =	vmul.f32 v10, v10;
	v7 =	vadd.f32 v7, v11;
	p2 =	sgt.f32 s16, $0.0e+00  }
0x70: {  	v2 =	vadd.f32 v2, v3;
	v38 =	vmul.f32 v31, v31;
	v41 =	vmov s15  }
0x71: {  	v3 =	vadd.f32 v37, v36;
	v5 =	vmul.f32 v39, v39;
	v7 =	vadd.f32 v10, v7;
	s16 =	simm.s32 @!p2 $0x3F800000  }
0x72: {  	(erf) = vrcp.f32 v41;
	v46 =	vmul.f32 v8, v8;
	v45 =	vmov s16  }
0x73: {  	v1 =	vadd.f32 v1, v2;
	v5 =	vadd.f32 v5, v7;
	(erf) = vrcp.f32 v45  }
0x74: {  	v6 =	vadd.f32 v44, v40;
	v13 =	vmul.f32 v13, v13;
	v2 =	vadd.f32 v43, v42;
	s28 =	smul.f32 $1.280000000e+02, s16  }
0x75: {  	v48 =	vld [tilespmem:s6+$0x4000];
	v3 =	vmul.f32 v3, v3;
	v1 =	vadd.f32 v38, v1;
	v5 =	vadd.f32 v46, v5  }
0x76: {  	v49 =	vld [tilespmem:s6+$0x4800];
	v8 =	vmul.f32 v47, v47;
	v2 =	vmul.f32 v2, v2;
	v50 =	vmov s28  }
0x77: {  	v51 =	vld [tilespmem:s12+$0x4000];
	v1 =	vadd.f32 v13, v1;
	v3 =	vadd.f32 v3, v5;
	(erf) = vrcp.f32 v50  }
0x78: {  	v52 =	vld [tilespmem:s12+$0x4800]  }
0x79: {  	v53 =	vpop (erf);
	v54 =	vmul.f32 v6, v6;
	v1 =	vadd.f32 v8, v1;
	v2 =	vadd.f32 v2, v3  }
0x7a: {  	v55 =	vpop (erf)  }
0x7b: {  	v7 =	vadd.f32 v49, v48;
	v56 =	vpop (erf);
	v1 =	vmul.f32 v55, v1;
	v2 =	vadd.f32 v54, v2  }
0x7c: {  	v57 =	vmul.f32 v4, v53;
	v58 =	vpop (erf)  }
0x7d: {  	s4 =	sadd.s32 s4, s7;
	v5 =	vadd.f32 v52, v51;
	v1 =	vsub.f32 v7, v1;
	v2 =	vmul.f32 v58, v2  }
0x7e: {  	v63 =	vimm.f32 $0.0e+00;
	p4 =	sne.s32 s4, $0x0;
	s4 =	simm.f32 $1.000000000e+00  }
0x7f: {  	s4 =	simm.s32 @!p1 $0x0;
	v3 =	vpsel !p0, $0x0, v57;
	v1 =	vmul.f32 v1, v56;
	v2 =	vsub.f32 v5, v2  }
0x80: {  	s29 =	sadd.s32 s9, s7;
	[tilespmem:$0x5020] =	vst v63;
	s4 =	sadd.f32 s4, s11;
	v3 =	vpsel !p4, $0x0, v3;
	v59 =	vpop (erf)  }
0x81: {  	p5 =	sne.s32 s29, $0x0;
	[tilespmem:$0x5030] =	vst v63;
	v0 =	vadd.f32 v3, v0;
	v1 =	vpsel !p1, $0x0, v1;
	s8 =	simm.s32 @!p2 $0x0;
	v2 =	vmul.f32 v2, v59  }
0x82: {  	s30 =	sadd.s32 s10, s7;
	[tilespmem:$0x5040] =	vst v63;
	v1 =	vpsel !p5, $0x0, v1;
	s4 =	sadd.f32 s8, s4  }
0x83: {  	p6 =	sne.s32 s30, $0x0;
	[tilespmem:$0x5050] =	vst v63;
	v0 =	vadd.f32 v1, v0;
	v60 =	vpsel !p2, $0x0, v2  }
0x84: {  	vm0 =	vcmask $0x300;
	[tilespmem:$0x5060] =	vst v63;
	v61 =	vmov s4;
	v1 =	vpsel !p6, $0x0, v60  }
0x85: {  	[tilespmem:$0x5070] =	vst v63;
	v62 =	vnsel vm0, $0x0, v61;
	v0 =	vadd.f32 v1, v0  }
0x86: {  	[tilespmem:$0x5010] =	vst v62  }
0x87: {  	s31 =	simm.s32 $0x5000;
	p0 =	sne.s32 s2, $0x0;
	s4 =	simm.s32 $0x1;
	[tilespmem:$0x5000] =	vst v0  }
0x88: {  	[spmem:s5] =	stream.linear.scatter [tilespmem:s31], [sflag:$0x1], $0x80, $0x38;
	[tilespmem:$0x5910] =	vst v63  }
.Ltmp2:
0x89: {  	_ =	swait.ge [sflag:s4], $0x80;
	(pc) =	sbr.rel @p0 .LBB2_5-.Ltmp2, $3  }
0x8a: {  	[sflag:s4] =	ssyncset.done $0x0  }
0x8b: {  	[sflag:s4] =	ssyncadd.s32 $0xFFFFFF80  }
0x8c: {  	[bflag:$0x0] =	sbarrier.arrive $0xFFFF;
	_ =	sdelay $0x1  }
0x8d: {  	s5 =	simm.s32 $0x5080  }
0x8e: {  	[tilespmem:s5], [sflag:$0x1] =	stream.linear.gather [spmem:s3], $0x800, $0x38;
	[tilespmem:$0x5910] =	vst v63  }
0x8f: {  	_ =	swait.ge [sflag:s4], $0x800  }
0x90: {  	[sflag:s4] =	ssyncset.done $0x0  }
0x91: {  	[sflag:s4] =	ssyncadd.s32 $0xFFFFF800  }
0x92: {  	v0 =	vld [tilespmem:$0x5080];
	_ =	sdelay $0x1  }
0x93: {  	v1 =	vld [tilespmem:$0x5100];
	_ =	sdelay $0x1  }
0x94: {  	v2 =	vld [tilespmem:$0x5180]  }
0x95: {  	v0 =	vadd.f32 $0.0e+00, v0  }
0x96: {  	v3 =	vld [tilespmem:$0x5200]  }
0x97: {  	v0 =	vadd.f32 v1, v0  }
0x98: {  	v35 =	vld [tilespmem:$0x5280]  }
0x99: {  	v0 =	vadd.f32 v2, v0  }
0x9a: {  	v36 =	vld [tilespmem:$0x5300]  }
0x9b: {  	v0 =	vadd.f32 v3, v0  }
0x9c: {  	v37 =	vld [tilespmem:$0x5380]  }
0x9d: {  	v0 =	vadd.f32 v35, v0  }
0x9e: {  	v38 =	vld [tilespmem:$0x5400]  }
0x9f: {  	v0 =	vadd.f32 v36, v0  }
0xa0: {  	v39 =	vld [tilespmem:$0x5480]  }
0xa1: {  	v0 =	vadd.f32 v37, v0  }
0xa2: {  	v40 =	vld [tilespmem:$0x5500]  }
0xa3: {  	v0 =	vadd.f32 v38, v0  }
0xa4: {  	v41 =	vld [tilespmem:$0x5580]  }
0xa5: {  	v0 =	vadd.f32 v39, v0  }
0xa6: {  	v42 =	vld [tilespmem:$0x5600]  }
0xa7: {  	v0 =	vadd.f32 v40, v0  }
0xa8: {  	v43 =	vld [tilespmem:$0x5680]  }
0xa9: {  	v0 =	vadd.f32 v41, v0  }
0xaa: {  	v44 =	vld [tilespmem:$0x5700]  }
0xab: {  	v0 =	vadd.f32 v42, v0  }
0xac: {  	v45 =	vld [tilespmem:$0x5780]  }
0xad: {  	v0 =	vadd.f32 v43, v0  }
0xae: {  	v46 =	vld [tilespmem:$0x5800]  }
0xaf: {  	v0 =	vadd.f32 v44, v0;
	_ =	sdelay $0x1  }
0xb0: {  	v0 =	vadd.f32 v45, v0;
	_ =	sdelay $0x1  }
0xb1: {  	v0 =	vadd.f32 v46, v0;
	_ =	sdelay $0x1  }
0xb2: {  	(v2sf) =	vpush v0, $0x0  }
0xb3: {  	(v2sf) =	vpush v0, $0x1  }
0xb4: {  	(v2sf) =	vpush v0, $0x2  }
0xb5: {  	(v2sf) =	vpush v0, $0x3  }
0xb6: {  	(v2sf) =	vpush v0, $0x4  }
0xb7: {  	(v2sf) =	vpush v0, $0x5  }
0xb8: {  	(v2sf) =	vpush v0, $0x6  }
0xb9: {  	(v2sf) =	vpush v0, $0x7  }
0xba: {  	(v2sf) =	vpush v0, $0x8  }
0xbb: {  	(v2sf) =	vpush v0, $0x9  }
0xbc: {  	(v2sf) =	vpush v0, $0xA  }
0xbd: {  	v47 =	vld [tilespmem:$0x5090];
	(v2sf) =	vpush v0, $0xB  }
0xbe: {  	(v2sf) =	vpush v0, $0xC  }
0xbf: {  	v48 =	vld [tilespmem:$0x5110];
	(v2sf) =	vpush v0, $0xD  }
0xc0: {  	(v2sf) =	vpush v0, $0xE  }
0xc1: {  	v49 =	vld [tilespmem:$0x5190];
	s28 =	spop (v2sf);
	(v2sf) =	vpush v0, $0xF  }
0xc2: {  	s29 =	spop (v2sf);
	(v2sf) =	vpush v47, $0x0  }
0xc3: {  	v50 =	vld [tilespmem:$0x5210];
	s6 =	spop (v2sf)  }
0xc4: {  	(v2sf) =	vpush v48, $0x0;
	s7 =	spop (v2sf)  }
0xc5: {  	v51 =	vld [tilespmem:$0x5290];
	s8 =	spop (v2sf)  }
0xc6: {  	(v2sf) =	vpush v49, $0x0;
	s9 =	spop (v2sf)  }
0xc7: {  	v52 =	vld [tilespmem:$0x5310];
	s10 =	spop (v2sf)  }
0xc8: {  	(v2sf) =	vpush v50, $0x0;
	s11 =	spop (v2sf)  }
0xc9: {  	v53 =	vld [tilespmem:$0x5390];
	s12 =	spop (v2sf)  }
0xca: {  	(v2sf) =	vpush v51, $0x0;
	s13 =	spop (v2sf)  }
0xcb: {  	v54 =	vld [tilespmem:$0x5410];
	s14 =	spop (v2sf)  }
0xcc: {  	(v2sf) =	vpush v52, $0x0;
	s15 =	spop (v2sf)  }
0xcd: {  	v55 =	vld [tilespmem:$0x5490];
	s16 =	spop (v2sf)  }
0xce: {  	(v2sf) =	vpush v53, $0x0;
	s17 =	spop (v2sf)  }
0xcf: {  	v56 =	vld [tilespmem:$0x5510];
	s18 =	spop (v2sf)  }
0xd0: {  	s19 =	spop (v2sf);
	(v2sf) =	vpush v54, $0x0  }
0xd1: {  	v57 =	vld [tilespmem:$0x5590];
	s20 =	spop (v2sf)  }
0xd2: {  	(v2sf) =	vpush v55, $0x0;
	s20 =	sadd.f32 $0.0e+00, s20  }
0xd3: {  	v58 =	vld [tilespmem:$0x5610];
	s21 =	spop (v2sf)  }
0xd4: {  	(v2sf) =	vpush v56, $0x0;
	s20 =	sadd.f32 s21, s20  }
0xd5: {  	v59 =	vld [tilespmem:$0x5690];
	s3 =	sadd.f32 s29, s28;
	s30 =	spop (v2sf)  }
0xd6: {  	(v2sf) =	vpush v57, $0x0;
	s5 =	sadd.f32 s30, s20  }
0xd7: {  	v60 =	vld [tilespmem:$0x5710];
	s3 =	sadd.f32 s3, s6;
	s31 =	spop (v2sf)  }
0xd8: {  	(v2sf) =	vpush v58, $0x0;
	s5 =	sadd.f32 s31, s5  }
0xd9: {  	v61 =	vld [tilespmem:$0x5790];
	s3 =	sadd.f32 s3, s7;
	s7 =	spop (v2sf)  }
0xda: {  	(v2sf) =	vpush v59, $0x0;
	s5 =	sadd.f32 s7, s5  }
0xdb: {  	v62 =	vld [tilespmem:$0x5810];
	s3 =	sadd.f32 s3, s8;
	s8 =	spop (v2sf)  }
0xdc: {  	(v2sf) =	vpush v60, $0x0;
	s5 =	sadd.f32 s8, s5  }
0xdd: {  	s3 =	sadd.f32 s3, s9;
	s9 =	spop (v2sf)  }
0xde: {  	(v2sf) =	vpush v61, $0x0;
	s5 =	sadd.f32 s9, s5  }
0xdf: {  	s3 =	sadd.f32 s3, s10;
	s20 =	spop (v2sf)  }
0xe0: {  	(v2sf) =	vpush v62, $0x0;
	s5 =	sadd.f32 s20, s5  }
0xe1: {  	s3 =	sadd.f32 s3, s11;
	s21 =	spop (v2sf)  }
0xe2: {  	s5 =	sadd.f32 s21, s5  }
0xe3: {  	s3 =	sadd.f32 s3, s12;
	s22 =	spop (v2sf)  }
0xe4: {  	s5 =	sadd.f32 s22, s5  }
0xe5: {  	s3 =	sadd.f32 s3, s13;
	s23 =	spop (v2sf)  }
0xe6: {  	s5 =	sadd.f32 s23, s5  }
0xe7: {  	s3 =	sadd.f32 s3, s14;
	s24 =	spop (v2sf)  }
0xe8: {  	s5 =	sadd.f32 s24, s5  }
0xe9: {  	s3 =	sadd.f32 s3, s15;
	s25 =	spop (v2sf)  }
0xea: {  	s5 =	sadd.f32 s25, s5  }
0xeb: {  	s3 =	sadd.f32 s3, s16;
	s26 =	spop (v2sf)  }
0xec: {  	s5 =	sadd.f32 s26, s5  }
0xed: {  	s3 =	sadd.f32 s3, s17;
	s28 =	spop (v2sf)  }
0xee: {  	s5 =	sadd.f32 s28, s5  }
0xef: {  	s3 =	sadd.f32 s3, s18;
	s29 =	spop (v2sf)  }
0xf0: {  	s5 =	sadd.f32 s29, s5;
	_ =	sdelay $0x1  }
0xf1: {  	s3 =	sadd.f32 s3, s19;
	p0 =	seq.f32 s5, $1.000000000e+00  }
0xf2: {  	_ = 	snop  }
0xf3: {  	s3 =	simm.s32 @p0 $0x0  }
0xf4: {  	v63 =	vmov s3  }
0xf5: {  	v0 =	vnsel vm0, $0x0, v63  }
0xf6: {  	s30 =	simm.s32 $0x0;
	s31 =	simm.s32 $0x5880;
	[tilespmem:$0x5880] =	vst v0  }
0xf7: {  	[hbm4b:s1+s30] =	stream.linear.scatter [tilespmem:s31], [sflag:$0x1], $0x10, $0x38;
	[tilespmem:$0x5910] =	vst v63  }
0xf8: {  	_ =	swait.ge [sflag:s4], $0x10  }
0xf9: {  	[sflag:s4] =	ssyncset.done $0x0  }
0xfa: {  	[sflag:s4] =	ssyncadd.s32 $0xFFFFFFF0  }
.LBB2_5:
0xfb: {  	_ =	sfence.sel $0x180000  }
0xfc: {  	[bflag:$0x0] =	sbarrier.arrive $0xFFFF  }
0xfd: {  	p0 =	sne.s32 s2, $0x0;
	_ =	strace $0x9000004A  }
0xfe: {  	s0 =	sadd.s32 @!p0 $0x100000, s0;
	[bflag:$0x2] =	sbarrier.arrive $0xFFFF  }
0xff: {  	[sflag:s0] =	ssyncadd.tile.s32 @!p0 $0x1;
	_ =	shalt  }
.Lfunc_end2:
_tile_overlayer_lowered:
.L_overlay_start_2:
0x100: {  	(tag) =	ssettag $0x2  }
0x101: {  	s0 =	rddreg [dreg:$0x0];
	s2 =	stileid.u32  }
0x102: {  	s1 =	rddreg [dreg:$0x1];
	p0 =	sne.s32 s2, $0x0  }
0x103: {  	s3 =	rddreg [dreg:$0x2];
	[bflag:$0x3] =	sbarrier.arrive $0xFFFF;
	s2 =	simm.s32 @!p0 $0x1C01  }
0x104: {  	[timem:s3], [sflag:s2] =	dma.local @!p0 [hbm:s0], s1  }
0x105: {  	s0 =	simm.s32 @!p0 $0x1  }
0x106: {  	_ =	swait.ge @!p0 [sflag:s0], s1  }
0x107: {  	s1 =	ssub.s32 @!p0 $0x0, s1;
	[sflag:s0] =	ssyncset.done @!p0 $0x0  }
0x108: {  	[sflag:s0] =	ssyncadd.s32 @!p0 s1  }
0x109: {  	[bflag:$0x3] =	sbarrier.arrive $0xFFFF  }
0x10a: {  	_ =	shalt  }

</sc_bundles>
